<compile_context>
chip_gen: v7x
topology: tpu7x:2x2x1
jax: 0.10.2.dev20260603
libtpu: 0.0.44.dev20260713+nightly
codegen_flags: <defaults>
</compile_context>

<pallas_src>
import math
import functools

import numpy as np
import jax
import jax.numpy as jnp
from jax import lax
from jax.experimental import pallas as pl
from jax.experimental.pallas import tpu as pltpu
from jax.experimental.pallas import tpu_sc as plsc

VOCAB_SIZE = 100000
D_MODEL = 1024
MAX_SEQ_LEN = 4096
SCALE = math.sqrt(D_MODEL)


def _make_pe(max_seq_len, d_model):
    position = np.arange(0, max_seq_len, dtype=np.float32)[:, None]
    div_term = np.exp(
        np.arange(0, d_model, 2, dtype=np.float32) * (-math.log(10000.0) / d_model)
    )
    pe = np.zeros((max_seq_len, d_model), dtype=np.float32)
    pe[:, 0::2] = np.sin(position * div_term)
    pe[:, 1::2] = np.cos(position * div_term)
    return pe


_PE_NP = _make_pe(MAX_SEQ_LEN, D_MODEL)

_INFO = plsc.get_sparse_core_info()
_NC, _NS, _L = _INFO.num_cores, _INFO.num_subcores, _INFO.num_lanes
_NW = _NC * _NS


def _sc_embed(table, x3, pe, B, S, D, n_chunks, C):
    n_per_w = n_chunks * C
    mesh = plsc.VectorSubcoreMesh(core_axis_name="c", subcore_axis_name="s")

    @functools.partial(
        pl.kernel,
        mesh=mesh,
        out_type=jax.ShapeDtypeStruct((B * S, D), jnp.float32),
        scratch_types=[
            pltpu.VMEM((n_chunks, C), jnp.int32),
            pltpu.VMEM((C, D), jnp.float32),
            pltpu.VMEM((C, D), jnp.float32),
            pltpu.SemaphoreType.DMA,
        ],
    )
    def k(table_hbm, x_hbm, pe_hbm, out_hbm, idx_v, rows_v, pe_v, sem):
        wid = lax.axis_index("s") * _NC + lax.axis_index("c")
        base = wid * n_per_w
        s_base = lax.rem(base, S)
        pltpu.sync_copy(x_hbm.at[wid], idx_v)

        def chunk_body(j, _):
            s0 = s_base + j * C
            pltpu.sync_copy(pe_hbm.at[pl.ds(s0, C)], pe_v)
            pltpu.async_copy(table_hbm.at[idx_v.at[j]], rows_v, sem).wait()

            def row_body(i, _):
                for kk in range(D // _L):
                    sl = pl.ds(kk * _L, _L)
                    rows_v[i, sl] = rows_v[i, sl] * SCALE + pe_v[i, sl]
                return _

            lax.fori_loop(0, C, row_body, None)
            pltpu.sync_copy(rows_v, out_hbm.at[pl.ds(base + j * C, C)])
            return _

        lax.fori_loop(0, n_chunks, chunk_body, None)

    return k(table, x3, pe)


def kernel(x, table):
    B, S = x.shape
    V, D = table.shape
    N = B * S
    n_per_w = N // _NW
    C = 32
    n_chunks = n_per_w // C
    x3 = x.astype(jnp.int32).reshape(_NW, n_chunks, C)
    pe = jnp.asarray(_PE_NP[:S])
    out = _sc_embed(table, x3, pe, B, S, D, n_chunks, C)
    return out.reshape(B, S, D)

# --- scband reference (transcript-rebuilt; emitter-appended) ---
"""Pipeline reference for scband-transformer-embedding-21835613733538 (READ-ONLY COPY).

The authoritative reference and input builder live on the scoring server;
editing this copy changes nothing except your own understanding.
"""

import math
import jax, jax.numpy as jnp
import numpy as np

VOCAB_SIZE = 100000
D_MODEL = 1024
MAX_SEQ_LEN = 4096


def make_sinusoidal_pe(max_seq_len, d_model):
    position = np.arange(0, max_seq_len, dtype=np.float32)[:, None]
    div_term = np.exp(np.arange(0, d_model, 2, dtype=np.float32) * (-math.log(10000.0) / d_model))
    pe = np.zeros((max_seq_len, d_model), dtype=np.float32)
    pe[:, 0::2] = np.sin(position * div_term)
    pe[:, 1::2] = np.cos(position * div_term)
    return jnp.asarray(pe)


def setup_inputs(seed: int = 0) -> dict:
    key = jax.random.key(seed)
    k_idx, k_tab = jax.random.split(key)
    x = jax.random.randint(k_idx, (4, 4096), 0, VOCAB_SIZE, dtype=jnp.int64 if jax.config.read('jax_enable_x64') else jnp.int32)
    table = jax.random.normal(k_tab, (VOCAB_SIZE, D_MODEL), dtype=jnp.float32) * 0.02
    return {"x": x, "table": table}


def reference(x, table):
    # TransformerEmbedding.forward: token embedding * sqrt(d_model) + sinusoidal PE; dropout p=0.0 is identity
    seq_len = x.shape[1]
    scale = math.sqrt(D_MODEL)
    emb = jnp.take(table, x, axis=0) * scale  # (B, S, D) gather
    pe = make_sinusoidal_pe(MAX_SEQ_LEN, D_MODEL)
    emb = emb + pe[:seq_len][None, :, :]
    return emb

if __name__ == "__main__":
    import jax
    _d = setup_inputs()
    print(jax.jit(kernel)(*tuple(_d.values())))

</pallas_src>

<mosaic_0001>
#map = affine_map<(d0, d1) -> (0, 0)>
#map1 = affine_map<(d0, d1) -> (0, 0, 0)>
module attributes {stable_mosaic.version = 14 : i64} {
  func.func @k(%arg0: i32, %arg1: i32, %arg2: memref<100000x1024xf32, #tpu.memory_space<hbm>>, %arg3: memref<32x16x32xi32, #tpu.memory_space<hbm>>, %arg4: memref<4096x1024xf32, #tpu.memory_space<hbm>>, %arg5: memref<16384x1024xf32, #tpu.memory_space<hbm>>, %arg6: memref<16x32xi32, #tpu.memory_space<vmem>>, %arg7: memref<32x1024xf32, #tpu.memory_space<vmem>>, %arg8: memref<32x1024xf32, #tpu.memory_space<vmem>>, %arg9: memref<!tpu.dma_semaphore, #tpu.memory_space<semaphore_mem>>) attributes {dimension_semantics = [#tpu.dimension_semantics<core_parallel>, #tpu.dimension_semantics<subcore_parallel>], iteration_bounds = array<i64: 2, 16>, scalar_prefetch = 0 : i64, scratch_operands = 4 : i64, tpu.core_type = #tpu.core_type<sc_vector_subcore>, window_params = [{transform_indices = #map}, {transform_indices = #map1}, {transform_indices = #map}, {transform_indices = #map}]} {
    %mul3A = arith.constant 2 : i32
    %mul3A_0 = arith.muli %arg1, %mul3A : i32
    %add3A = arith.addi %mul3A_0, %arg0 : i32
    %mul3A_1 = arith.constant 512 : i32
    %mul3A_2 = arith.muli %add3A, %mul3A_1 : i32
    %rem3A = arith.constant 4096 : i32
    %rem3A_3 = arith.remsi %mul3A_2, %rem3A : i32
    "tpu.region"() ({
      %run_scoped3A = tpu.sem_alloc : memref<!tpu.dma_semaphore, #tpu.memory_space<semaphore_mem>>
      %dma_start3A = arith.constant 0 : i32
      %dma_start3A_8 = arith.constant 0 : i32
      %dma_start3A_9 = tpu.memref_slice %arg3[%add3A, %dma_start3A, %dma_start3A_8] : memref<32x16x32xi32, #tpu.memory_space<hbm>> -> memref<1x16x32xi32, #tpu.memory_space<hbm>>
      %dma_start3A_10 = tpu.memref_squeeze %dma_start3A_9 : memref<1x16x32xi32, #tpu.memory_space<hbm>> -> memref<16x32xi32, #tpu.memory_space<hbm>>
      %dma_start3A_11 = arith.constant 0 : i32
      %dma_start3A_12 = arith.constant 0 : i32
      %dma_start3A_13 = tpu.memref_slice %arg3[%add3A, %dma_start3A_11, %dma_start3A_12] : memref<32x16x32xi32, #tpu.memory_space<hbm>> -> memref<1x16x32xi32, #tpu.memory_space<hbm>>
      %dma_start3A_14 = tpu.memref_squeeze %dma_start3A_13 : memref<1x16x32xi32, #tpu.memory_space<hbm>> -> memref<16x32xi32, #tpu.memory_space<hbm>>
      tpu.enqueue_dma source(%dma_start3A_14 : memref<16x32xi32, #tpu.memory_space<hbm>>) target(%arg6 : memref<16x32xi32, #tpu.memory_space<vmem>>) target_semaphore(%run_scoped3A : memref<!tpu.dma_semaphore, #tpu.memory_space<semaphore_mem>>)
      %dma_wait3A = arith.constant 0 : i32
      %dma_wait3A_15 = arith.constant 0 : i32
      %dma_wait3A_16 = tpu.memref_slice %arg3[%add3A, %dma_wait3A, %dma_wait3A_15] : memref<32x16x32xi32, #tpu.memory_space<hbm>> -> memref<1x16x32xi32, #tpu.memory_space<hbm>>
      %dma_wait3A_17 = tpu.memref_squeeze %dma_wait3A_16 : memref<1x16x32xi32, #tpu.memory_space<hbm>> -> memref<16x32xi32, #tpu.memory_space<hbm>>
      %dma_wait3A_18 = arith.constant 0 : i32
      %dma_wait3A_19 = arith.constant 0 : i32
      %dma_wait3A_20 = tpu.memref_slice %arg3[%add3A, %dma_wait3A_18, %dma_wait3A_19] : memref<32x16x32xi32, #tpu.memory_space<hbm>> -> memref<1x16x32xi32, #tpu.memory_space<hbm>>
      %dma_wait3A_21 = tpu.memref_squeeze %dma_wait3A_20 : memref<1x16x32xi32, #tpu.memory_space<hbm>> -> memref<16x32xi32, #tpu.memory_space<hbm>>
      tpu.wait_dma2 semaphore(%run_scoped3A : memref<!tpu.dma_semaphore, #tpu.memory_space<semaphore_mem>>) src(%dma_wait3A_21 : memref<16x32xi32, #tpu.memory_space<hbm>>) dst(%arg6 : memref<16x32xi32, #tpu.memory_space<vmem>>)
      tpu.yield
    }) : () -> ()
    %scan3A = arith.constant 0 : i32
    %scan3A_4 = arith.constant 16 : i32
    %scan3A_5 = arith.addi %scan3A, %scan3A_4 : i32
    %scan3A_6 = arith.constant 1 : i32
    scf.for %scan3A_8 = %scan3A to %scan3A_5 step %scan3A_6  : i32 {
      %mul3A_9 = arith.constant 32 : i32
      %mul3A_10 = arith.muli %scan3A_8, %mul3A_9 : i32
      %add3A_11 = arith.addi %rem3A_3, %mul3A_10 : i32
      "tpu.region"() ({
        %run_scoped3A = tpu.sem_alloc : memref<!tpu.dma_semaphore, #tpu.memory_space<semaphore_mem>>
        %dma_start3A_30 = arith.constant 0 : i32
        %dma_start3A_31 = tpu.memref_slice %arg4[%add3A_11, %dma_start3A_30] : memref<4096x1024xf32, #tpu.memory_space<hbm>> -> memref<32x1024xf32, #tpu.memory_space<hbm>>
        %dma_start3A_32 = arith.constant 0 : i32
        %dma_start3A_33 = tpu.memref_slice %arg4[%add3A_11, %dma_start3A_32] : memref<4096x1024xf32, #tpu.memory_space<hbm>> -> memref<32x1024xf32, #tpu.memory_space<hbm>>
        tpu.enqueue_dma source(%dma_start3A_33 : memref<32x1024xf32, #tpu.memory_space<hbm>>) target(%arg8 : memref<32x1024xf32, #tpu.memory_space<vmem>>) target_semaphore(%run_scoped3A : memref<!tpu.dma_semaphore, #tpu.memory_space<semaphore_mem>>)
        %dma_wait3A_34 = arith.constant 0 : i32
        %dma_wait3A_35 = tpu.memref_slice %arg4[%add3A_11, %dma_wait3A_34] : memref<4096x1024xf32, #tpu.memory_space<hbm>> -> memref<32x1024xf32, #tpu.memory_space<hbm>>
        %dma_wait3A_36 = arith.constant 0 : i32
        %dma_wait3A_37 = tpu.memref_slice %arg4[%add3A_11, %dma_wait3A_36] : memref<4096x1024xf32, #tpu.memory_space<hbm>> -> memref<32x1024xf32, #tpu.memory_space<hbm>>
        tpu.wait_dma2 semaphore(%run_scoped3A : memref<!tpu.dma_semaphore, #tpu.memory_space<semaphore_mem>>) src(%dma_wait3A_37 : memref<32x1024xf32, #tpu.memory_space<hbm>>) dst(%arg8 : memref<32x1024xf32, #tpu.memory_space<vmem>>)
        tpu.yield
      }) : () -> ()
      %dma_start3A = arith.constant 0 : i32
      %dma_start3A_12 = tpu.memref_slice %arg6[%scan3A_8, %dma_start3A] : memref<16x32xi32, #tpu.memory_space<vmem>> -> memref<1x32xi32, #tpu.memory_space<vmem>>
      %dma_start3A_13 = tpu.memref_squeeze %dma_start3A_12 : memref<1x32xi32, #tpu.memory_space<vmem>> -> memref<32xi32, #tpu.memory_space<vmem>>
      %dma_start3A_14 = arith.constant 0 : i32
      %dma_start3A_15 = arith.constant 0 : i32
      %dma_start3A_16 = tpu.memref_slice %arg2[%dma_start3A_14, %dma_start3A_15] : memref<100000x1024xf32, #tpu.memory_space<hbm>> -> memref<100000x1024xf32, #tpu.memory_space<hbm>>
      tpu.enqueue_indirect_dma source(%dma_start3A_16 : memref<100000x1024xf32, #tpu.memory_space<hbm>>) target(%arg7 : memref<32x1024xf32, #tpu.memory_space<vmem>>) offsets(%dma_start3A_13 : memref<32xi32, #tpu.memory_space<vmem>>) semaphore(%arg9 : memref<!tpu.dma_semaphore, #tpu.memory_space<semaphore_mem>>)
      %dma_wait3A = arith.constant 0 : i32
      %dma_wait3A_17 = tpu.memref_slice %arg6[%scan3A_8, %dma_wait3A] : memref<16x32xi32, #tpu.memory_space<vmem>> -> memref<1x32xi32, #tpu.memory_space<vmem>>
      %dma_wait3A_18 = tpu.memref_squeeze %dma_wait3A_17 : memref<1x32xi32, #tpu.memory_space<vmem>> -> memref<32xi32, #tpu.memory_space<vmem>>
      %dma_wait3A_19 = arith.constant 0 : i32
      %dma_wait3A_20 = arith.constant 0 : i32
      %dma_wait3A_21 = tpu.memref_slice %arg2[%dma_wait3A_19, %dma_wait3A_20] : memref<100000x1024xf32, #tpu.memory_space<hbm>> -> memref<100000x1024xf32, #tpu.memory_space<hbm>>
      tpu.wait_indirect_dma semaphore(%arg9 : memref<!tpu.dma_semaphore, #tpu.memory_space<semaphore_mem>>) src(%dma_wait3A_21 : memref<100000x1024xf32, #tpu.memory_space<hbm>>) dst(%arg7 : memref<32x1024xf32, #tpu.memory_space<vmem>>)
      %scan3A_22 = arith.constant 0 : i32
      %scan3A_23 = arith.constant 32 : i32
      %scan3A_24 = arith.addi %scan3A_22, %scan3A_23 : i32
      %scan3A_25 = arith.constant 1 : i32
      scf.for %scan3A_30 = %scan3A_22 to %scan3A_24 step %scan3A_25  : i32 {
        %get3A = arith.index_cast %scan3A_30 : i32 to index
        %get3A_31 = arith.constant 0 : index
        %get3A_32 = tpu.vector_load %arg7[%get3A, %get3A_31] {strides = array<i32>} : memref<32x1024xf32, #tpu.memory_space<vmem>>, vector<1x16xf32>,
        %get3A_33 = vector.shape_cast %get3A_32 : vector<1x16xf32> to vector<16xf32>
        %mul3A_34 = arith.constant 3.200000e+01 : f32
        %mul3A_35 = vector.broadcast %mul3A_34 : f32 to vector<16xf32>
        %mul3A_36 = arith.mulf %get3A_33, %mul3A_35 : vector<16xf32>
        %get3A_37 = arith.index_cast %scan3A_30 : i32 to index
        %get3A_38 = arith.constant 0 : index
        %get3A_39 = tpu.vector_load %arg8[%get3A_37, %get3A_38] {strides = array<i32>} : memref<32x1024xf32, #tpu.memory_space<vmem>>, vector<1x16xf32>,
        %get3A_40 = vector.shape_cast %get3A_39 : vector<1x16xf32> to vector<16xf32>
        %add3A_41 = arith.addf %mul3A_36, %get3A_40 : vector<16xf32>
        %swap3A = arith.index_cast %scan3A_30 : i32 to index
        %swap3A_42 = arith.constant 0 : index
        %swap3A_43 = tpu.vector_load %arg7[%swap3A, %swap3A_42] {strides = array<i32>} : memref<32x1024xf32, #tpu.memory_space<vmem>>, vector<1x16xf32>,
        %swap3A_44 = vector.shape_cast %swap3A_43 : vector<1x16xf32> to vector<16xf32>
        %swap3A_45 = vector.shape_cast %add3A_41 : vector<16xf32> to vector<1x16xf32>
        tpu.vector_store %arg7[%swap3A, %swap3A_42], %swap3A_45 {strides = array<i32>} : memref<32x1024xf32, #tpu.memory_space<vmem>>, vector<1x16xf32>,
        %get3A_46 = arith.index_cast %scan3A_30 : i32 to index
        %get3A_47 = arith.constant 16 : index
        %get3A_48 = tpu.vector_load %arg7[%get3A_46, %get3A_47] {strides = array<i32>} : memref<32x1024xf32, #tpu.memory_space<vmem>>, vector<1x16xf32>,
        %get3A_49 = vector.shape_cast %get3A_48 : vector<1x16xf32> to vector<16xf32>
        %mul3A_50 = arith.constant 3.200000e+01 : f32
        %mul3A_51 = vector.broadcast %mul3A_50 : f32 to vector<16xf32>
        %mul3A_52 = arith.mulf %get3A_49, %mul3A_51 : vector<16xf32>
        %get3A_53 = arith.index_cast %scan3A_30 : i32 to index
        %get3A_54 = arith.constant 16 : index
        %get3A_55 = tpu.vector_load %arg8[%get3A_53, %get3A_54] {strides = array<i32>} : memref<32x1024xf32, #tpu.memory_space<vmem>>, vector<1x16xf32>,
        %get3A_56 = vector.shape_cast %get3A_55 : vector<1x16xf32> to vector<16xf32>
        %add3A_57 = arith.addf %mul3A_52, %get3A_56 : vector<16xf32>
        %swap3A_58 = arith.index_cast %scan3A_30 : i32 to index
        %swap3A_59 = arith.constant 16 : index
        %swap3A_60 = tpu.vector_load %arg7[%swap3A_58, %swap3A_59] {strides = array<i32>} : memref<32x1024xf32, #tpu.memory_space<vmem>>, vector<1x16xf32>,
        %swap3A_61 = vector.shape_cast %swap3A_60 : vector<1x16xf32> to vector<16xf32>
        %swap3A_62 = vector.shape_cast %add3A_57 : vector<16xf32> to vector<1x16xf32>
        tpu.vector_store %arg7[%swap3A_58, %swap3A_59], %swap3A_62 {strides = array<i32>} : memref<32x1024xf32, #tpu.memory_space<vmem>>, vector<1x16xf32>,
        %get3A_63 = arith.index_cast %scan3A_30 : i32 to index
        %get3A_64 = arith.constant 32 : index
        %get3A_65 = tpu.vector_load %arg7[%get3A_63, %get3A_64] {strides = array<i32>} : memref<32x1024xf32, #tpu.memory_space<vmem>>, vector<1x16xf32>,
        %get3A_66 = vector.shape_cast %get3A_65 : vector<1x16xf32> to vector<16xf32>
        %mul3A_67 = arith.constant 3.200000e+01 : f32
        %mul3A_68 = vector.broadcast %mul3A_67 : f32 to vector<16xf32>
        %mul3A_69 = arith.mulf %get3A_66, %mul3A_68 : vector<16xf32>
        %get3A_70 = arith.index_cast %scan3A_30 : i32 to index
        %get3A_71 = arith.constant 32 : index
        %get3A_72 = tpu.vector_load %arg8[%get3A_70, %get3A_71] {strides = array<i32>} : memref<32x1024xf32, #tpu.memory_space<vmem>>, vector<1x16xf32>,
        %get3A_73 = vector.shape_cast %get3A_72 : vector<1x16xf32> to vector<16xf32>
        %add3A_74 = arith.addf %mul3A_69, %get3A_73 : vector<16xf32>
        %swap3A_75 = arith.index_cast %scan3A_30 : i32 to index
        %swap3A_76 = arith.constant 32 : index
        %swap3A_77 = tpu.vector_load %arg7[%swap3A_75, %swap3A_76] {strides = array<i32>} : memref<32x1024xf32, #tpu.memory_space<vmem>>, vector<1x16xf32>,
        %swap3A_78 = vector.shape_cast %swap3A_77 : vector<1x16xf32> to vector<16xf32>
        %swap3A_79 = vector.shape_cast %add3A_74 : vector<16xf32> to vector<1x16xf32>
        tpu.vector_store %arg7[%swap3A_75, %swap3A_76], %swap3A_79 {strides = array<i32>} : memref<32x1024xf32, #tpu.memory_space<vmem>>, vector<1x16xf32>,
        %get3A_80 = arith.index_cast %scan3A_30 : i32 to index
        %get3A_81 = arith.constant 48 : index
        %get3A_82 = tpu.vector_load %arg7[%get3A_80, %get3A_81] {strides = array<i32>} : memref<32x1024xf32, #tpu.memory_space<vmem>>, vector<1x16xf32>,
        %get3A_83 = vector.shape_cast %get3A_82 : vector<1x16xf32> to vector<16xf32>
        %mul3A_84 = arith.constant 3.200000e+01 : f32
        %mul3A_85 = vector.broadcast %mul3A_84 : f32 to vector<16xf32>
        %mul3A_86 = arith.mulf %get3A_83, %mul3A_85 : vector<16xf32>
        %get3A_87 = arith.index_cast %scan3A_30 : i32 to index
        %get3A_88 = arith.constant 48 : index
        %get3A_89 = tpu.vector_load %arg8[%get3A_87, %get3A_88] {strides = array<i32>} : memref<32x1024xf32, #tpu.memory_space<vmem>>, vector<1x16xf32>,
        %get3A_90 = vector.shape_cast %get3A_89 : vector<1x16xf32> to vector<16xf32>
        %add3A_91 = arith.addf %mul3A_86, %get3A_90 : vector<16xf32>
        %swap3A_92 = arith.index_cast %scan3A_30 : i32 to index
        %swap3A_93 = arith.constant 48 : index
        %swap3A_94 = tpu.vector_load %arg7[%swap3A_92, %swap3A_93] {strides = array<i32>} : memref<32x1024xf32, #tpu.memory_space<vmem>>, vector<1x16xf32>,
        %swap3A_95 = vector.shape_cast %swap3A_94 : vector<1x16xf32> to vector<16xf32>
        %swap3A_96 = vector.shape_cast %add3A_91 : vector<16xf32> to vector<1x16xf32>
        tpu.vector_store %arg7[%swap3A_92, %swap3A_93], %swap3A_96 {strides = array<i32>} : memref<32x1024xf32, #tpu.memory_space<vmem>>, vector<1x16xf32>,
        %get3A_97 = arith.index_cast %scan3A_30 : i32 to index
        %get3A_98 = arith.constant 64 : index
        %get3A_99 = tpu.vector_load %arg7[%get3A_97, %get3A_98] {strides = array<i32>} : memref<32x1024xf32, #tpu.memory_space<vmem>>, vector<1x16xf32>,
        %get3A_100 = vector.shape_cast %get3A_99 : vector<1x16xf32> to vector<16xf32>
        %mul3A_101 = arith.constant 3.200000e+01 : f32
        %mul3A_102 = vector.broadcast %mul3A_101 : f32 to vector<16xf32>
        %mul3A_103 = arith.mulf %get3A_100, %mul3A_102 : vector<16xf32>
        %get3A_104 = arith.index_cast %scan3A_30 : i32 to index
        %get3A_105 = arith.constant 64 : index
        %get3A_106 = tpu.vector_load %arg8[%get3A_104, %get3A_105] {strides = array<i32>} : memref<32x1024xf32, #tpu.memory_space<vmem>>, vector<1x16xf32>,
        %get3A_107 = vector.shape_cast %get3A_106 : vector<1x16xf32> to vector<16xf32>
        %add3A_108 = arith.addf %mul3A_103, %get3A_107 : vector<16xf32>
        %swap3A_109 = arith.index_cast %scan3A_30 : i32 to index
        %swap3A_110 = arith.constant 64 : index
        %swap3A_111 = tpu.vector_load %arg7[%swap3A_109, %swap3A_110] {strides = array<i32>} : memref<32x1024xf32, #tpu.memory_space<vmem>>, vector<1x16xf32>,
        %swap3A_112 = vector.shape_cast %swap3A_111 : vector<1x16xf32> to vector<16xf32>
        %swap3A_113 = vector.shape_cast %add3A_108 : vector<16xf32> to vector<1x16xf32>
        tpu.vector_store %arg7[%swap3A_109, %swap3A_110], %swap3A_113 {strides = array<i32>} : memref<32x1024xf32, #tpu.memory_space<vmem>>, vector<1x16xf32>,
        %get3A_114 = arith.index_cast %scan3A_30 : i32 to index
        %get3A_115 = arith.constant 80 : index
        %get3A_116 = tpu.vector_load %arg7[%get3A_114, %get3A_115] {strides = array<i32>} : memref<32x1024xf32, #tpu.memory_space<vmem>>, vector<1x16xf32>,
        %get3A_117 = vector.shape_cast %get3A_116 : vector<1x16xf32> to vector<16xf32>
        %mul3A_118 = arith.constant 3.200000e+01 : f32
        %mul3A_119 = vector.broadcast %mul3A_118 : f32 to vector<16xf32>
        %mul3A_120 = arith.mulf %get3A_117, %mul3A_119 : vector<16xf32>
        %get3A_121 = arith.index_cast %scan3A_30 : i32 to index
        %get3A_122 = arith.constant 80 : index
        %get3A_123 = tpu.vector_load %arg8[%get3A_121, %get3A_122] {strides = array<i32>} : memref<32x1024xf32, #tpu.memory_space<vmem>>, vector<1x16xf32>,
        %get3A_124 = vector.shape_cast %get3A_123 : vector<1x16xf32> to vector<16xf32>
        %add3A_125 = arith.addf %mul3A_120, %get3A_124 : vector<16xf32>
        %swap3A_126 = arith.index_cast %scan3A_30 : i32 to index
        %swap3A_127 = arith.constant 80 : index
        %swap3A_128 = tpu.vector_load %arg7[%swap3A_126, %swap3A_127] {strides = array<i32>} : memref<32x1024xf32, #tpu.memory_space<vmem>>, vector<1x16xf32>,
        %swap3A_129 = vector.shape_cast %swap3A_128 : vector<1x16xf32> to vector<16xf32>
        %swap3A_130 = vector.shape_cast %add3A_125 : vector<16xf32> to vector<1x16xf32>
        tpu.vector_store %arg7[%swap3A_126, %swap3A_127], %swap3A_130 {strides = array<i32>} : memref<32x1024xf32, #tpu.memory_space<vmem>>, vector<1x16xf32>,
        %get3A_131 = arith.index_cast %scan3A_30 : i32 to index
        %get3A_132 = arith.constant 96 : index
        %get3A_133 = tpu.vector_load %arg7[%get3A_131, %get3A_132] {strides = array<i32>} : memref<32x1024xf32, #tpu.memory_space<vmem>>, vector<1x16xf32>,
        %get3A_134 = vector.shape_cast %get3A_133 : vector<1x16xf32> to vector<16xf32>
        %mul3A_135 = arith.constant 3.200000e+01 : f32
        %mul3A_136 = vector.broadcast %mul3A_135 : f32 to vector<16xf32>
        %mul3A_137 = arith.mulf %get3A_134, %mul3A_136 : vector<16xf32>
        %get3A_138 = arith.index_cast %scan3A_30 : i32 to index
        %get3A_139 = arith.constant 96 : index
        %get3A_140 = tpu.vector_load %arg8[%get3A_138, %get3A_139] {strides = array<i32>} : memref<32x1024xf32, #tpu.memory_space<vmem>>, vector<1x16xf32>,
        %get3A_141 = vector.shape_cast %get3A_140 : vector<1x16xf32> to vector<16xf32>
        %add3A_142 = arith.addf %mul3A_137, %get3A_141 : vector<16xf32>
        %swap3A_143 = arith.index_cast %scan3A_30 : i32 to index
        %swap3A_144 = arith.constant 96 : index
        %swap3A_145 = tpu.vector_load %arg7[%swap3A_143, %swap3A_144] {strides = array<i32>} : memref<32x1024xf32, #tpu.memory_space<vmem>>, vector<1x16xf32>,
        %swap3A_146 = vector.shape_cast %swap3A_145 : vector<1x16xf32> to vector<16xf32>
        %swap3A_147 = vector.shape_cast %add3A_142 : vector<16xf32> to vector<1x16xf32>
        tpu.vector_store %arg7[%swap3A_143, %swap3A_144], %swap3A_147 {strides = array<i32>} : memref<32x1024xf32, #tpu.memory_space<vmem>>, vector<1x16xf32>,
        %get3A_148 = arith.index_cast %scan3A_30 : i32 to index
        %get3A_149 = arith.constant 112 : index
        %get3A_150 = tpu.vector_load %arg7[%get3A_148, %get3A_149] {strides = array<i32>} : memref<32x1024xf32, #tpu.memory_space<vmem>>, vector<1x16xf32>,
        %get3A_151 = vector.shape_cast %get3A_150 : vector<1x16xf32> to vector<16xf32>
        %mul3A_152 = arith.constant 3.200000e+01 : f32
        %mul3A_153 = vector.broadcast %mul3A_152 : f32 to vector<16xf32>
        %mul3A_154 = arith.mulf %get3A_151, %mul3A_153 : vector<16xf32>
        %get3A_155 = arith.index_cast %scan3A_30 : i32 to index
        %get3A_156 = arith.constant 112 : index
        %get3A_157 = tpu.vector_load %arg8[%get3A_155, %get3A_156] {strides = array<i32>} : memref<32x1024xf32, #tpu.memory_space<vmem>>, vector<1x16xf32>,
        %get3A_158 = vector.shape_cast %get3A_157 : vector<1x16xf32> to vector<16xf32>
        %add3A_159 = arith.addf %mul3A_154, %get3A_158 : vector<16xf32>
        %swap3A_160 = arith.index_cast %scan3A_30 : i32 to index
        %swap3A_161 = arith.constant 112 : index
        %swap3A_162 = tpu.vector_load %arg7[%swap3A_160, %swap3A_161] {strides = array<i32>} : memref<32x1024xf32, #tpu.memory_space<vmem>>, vector<1x16xf32>,
        %swap3A_163 = vector.shape_cast %swap3A_162 : vector<1x16xf32> to vector<16xf32>
        %swap3A_164 = vector.shape_cast %add3A_159 : vector<16xf32> to vector<1x16xf32>
        tpu.vector_store %arg7[%swap3A_160, %swap3A_161], %swap3A_164 {strides = array<i32>} : memref<32x1024xf32, #tpu.memory_space<vmem>>, vector<1x16xf32>,
        %get3A_165 = arith.index_cast %scan3A_30 : i32 to index
        %get3A_166 = arith.constant 128 : index
        %get3A_167 = tpu.vector_load %arg7[%get3A_165, %get3A_166] {strides = array<i32>} : memref<32x1024xf32, #tpu.memory_space<vmem>>, vector<1x16xf32>,
        %get3A_168 = vector.shape_cast %get3A_167 : vector<1x16xf32> to vector<16xf32>
        %mul3A_169 = arith.constant 3.200000e+01 : f32
        %mul3A_170 = vector.broadcast %mul3A_169 : f32 to vector<16xf32>
        %mul3A_171 = arith.mulf %get3A_168, %mul3A_170 : vector<16xf32>
        %get3A_172 = arith.index_cast %scan3A_30 : i32 to index
        %get3A_173 = arith.constant 128 : index
        %get3A_174 = tpu.vector_load %arg8[%get3A_172, %get3A_173] {strides = array<i32>} : memref<32x1024xf32, #tpu.memory_space<vmem>>, vector<1x16xf32>,
        %get3A_175 = vector.shape_cast %get3A_174 : vector<1x16xf32> to vector<16xf32>
        %add3A_176 = arith.addf %mul3A_171, %get3A_175 : vector<16xf32>
        %swap3A_177 = arith.index_cast %scan3A_30 : i32 to index
        %swap3A_178 = arith.constant 128 : index
        %swap3A_179 = tpu.vector_load %arg7[%swap3A_177, %swap3A_178] {strides = array<i32>} : memref<32x1024xf32, #tpu.memory_space<vmem>>, vector<1x16xf32>,
        %swap3A_180 = vector.shape_cast %swap3A_179 : vector<1x16xf32> to vector<16xf32>
        %swap3A_181 = vector.shape_cast %add3A_176 : vector<16xf32> to vector<1x16xf32>
        tpu.vector_store %arg7[%swap3A_177, %swap3A_178], %swap3A_181 {strides = array<i32>} : memref<32x1024xf32, #tpu.memory_space<vmem>>, vector<1x16xf32>,
        %get3A_182 = arith.index_cast %scan3A_30 : i32 to index
        %get3A_183 = arith.constant 144 : index
        %get3A_184 = tpu.vector_load %arg7[%get3A_182, %get3A_183] {strides = array<i32>} : memref<32x1024xf32, #tpu.memory_space<vmem>>, vector<1x16xf32>,
        %get3A_185 = vector.shape_cast %get3A_184 : vector<1x16xf32> to vector<16xf32>
        %mul3A_186 = arith.constant 3.200000e+01 : f32
        %mul3A_187 = vector.broadcast %mul3A_186 : f32 to vector<16xf32>
        %mul3A_188 = arith.mulf %get3A_185, %mul3A_187 : vector<16xf32>
        %get3A_189 = arith.index_cast %scan3A_30 : i32 to index
        %get3A_190 = arith.constant 144 : index
        %get3A_191 = tpu.vector_load %arg8[%get3A_189, %get3A_190] {strides = array<i32>} : memref<32x1024xf32, #tpu.memory_space<vmem>>, vector<1x16xf32>,
        %get3A_192 = vector.shape_cast %get3A_191 : vector<1x16xf32> to vector<16xf32>
        %add3A_193 = arith.addf %mul3A_188, %get3A_192 : vector<16xf32>
        %swap3A_194 = arith.index_cast %scan3A_30 : i32 to index
        %swap3A_195 = arith.constant 144 : index
        %swap3A_196 = tpu.vector_load %arg7[%swap3A_194, %swap3A_195] {strides = array<i32>} : memref<32x1024xf32, #tpu.memory_space<vmem>>, vector<1x16xf32>,
        %swap3A_197 = vector.shape_cast %swap3A_196 : vector<1x16xf32> to vector<16xf32>
        %swap3A_198 = vector.shape_cast %add3A_193 : vector<16xf32> to vector<1x16xf32>
        tpu.vector_store %arg7[%swap3A_194, %swap3A_195], %swap3A_198 {strides = array<i32>} : memref<32x1024xf32, #tpu.memory_space<vmem>>, vector<1x16xf32>,
        %get3A_199 = arith.index_cast %scan3A_30 : i32 to index
        %get3A_200 = arith.constant 160 : index
        %get3A_201 = tpu.vector_load %arg7[%get3A_199, %get3A_200] {strides = array<i32>} : memref<32x1024xf32, #tpu.memory_space<vmem>>, vector<1x16xf32>,
        %get3A_202 = vector.shape_cast %get3A_201 : vector<1x16xf32> to vector<16xf32>
        %mul3A_203 = arith.constant 3.200000e+01 : f32
        %mul3A_204 = vector.broadcast %mul3A_203 : f32 to vector<16xf32>
        %mul3A_205 = arith.mulf %get3A_202, %mul3A_204 : vector<16xf32>
        %get3A_206 = arith.index_cast %scan3A_30 : i32 to index
        %get3A_207 = arith.constant 160 : index
        %get3A_208 = tpu.vector_load %arg8[%get3A_206, %get3A_207] {strides = array<i32>} : memref<32x1024xf32, #tpu.memory_space<vmem>>, vector<1x16xf32>,
        %get3A_209 = vector.shape_cast %get3A_208 : vector<1x16xf32> to vector<16xf32>
        %add3A_210 = arith.addf %mul3A_205, %get3A_209 : vector<16xf32>
        %swap3A_211 = arith.index_cast %scan3A_30 : i32 to index
        %swap3A_212 = arith.constant 160 : index
        %swap3A_213 = tpu.vector_load %arg7[%swap3A_211, %swap3A_212] {strides = array<i32>} : memref<32x1024xf32, #tpu.memory_space<vmem>>, vector<1x16xf32>,
        %swap3A_214 = vector.shape_cast %swap3A_213 : vector<1x16xf32> to vector<16xf32>
        %swap3A_215 = vector.shape_cast %add3A_210 : vector<16xf32> to vector<1x16xf32>
        tpu.vector_store %arg7[%swap3A_211, %swap3A_212], %swap3A_215 {strides = array<i32>} : memref<32x1024xf32, #tpu.memory_space<vmem>>, vector<1x16xf32>,
        %get3A_216 = arith.index_cast %scan3A_30 : i32 to index
        %get3A_217 = arith.constant 176 : index
        %get3A_218 = tpu.vector_load %arg7[%get3A_216, %get3A_217] {strides = array<i32>} : memref<32x1024xf32, #tpu.memory_space<vmem>>, vector<1x16xf32>,
        %get3A_219 = vector.shape_cast %get3A_218 : vector<1x16xf32> to vector<16xf32>
        %mul3A_220 = arith.constant 3.200000e+01 : f32
        %mul3A_221 = vector.broadcast %mul3A_220 : f32 to vector<16xf32>
        %mul3A_222 = arith.mulf %get3A_219, %mul3A_221 : vector<16xf32>
        %get3A_223 = arith.index_cast %scan3A_30 : i32 to index
        %get3A_224 = arith.constant 176 : index
        %get3A_225 = tpu.vector_load %arg8[%get3A_223, %get3A_224] {strides = array<i32>} : memref<32x1024xf32, #tpu.memory_space<vmem>>, vector<1x16xf32>,
        %get3A_226 = vector.shape_cast %get3A_225 : vector<1x16xf32> to vector<16xf32>
        %add3A_227 = arith.addf %mul3A_222, %get3A_226 : vector<16xf32>
        %swap3A_228 = arith.index_cast %scan3A_30 : i32 to index
        %swap3A_229 = arith.constant 176 : index
        %swap3A_230 = tpu.vector_load %arg7[%swap3A_228, %swap3A_229] {strides = array<i32>} : memref<32x1024xf32, #tpu.memory_space<vmem>>, vector<1x16xf32>,
        %swap3A_231 = vector.shape_cast %swap3A_230 : vector<1x16xf32> to vector<16xf32>
        %swap3A_232 = vector.shape_cast %add3A_227 : vector<16xf32> to vector<1x16xf32>
        tpu.vector_store %arg7[%swap3A_228, %swap3A_229], %swap3A_232 {strides = array<i32>} : memref<32x1024xf32, #tpu.memory_space<vmem>>, vector<1x16xf32>,
        %get3A_233 = arith.index_cast %scan3A_30 : i32 to index
        %get3A_234 = arith.constant 192 : index
        %get3A_235 = tpu.vector_load %arg7[%get3A_233, %get3A_234] {strides = array<i32>} : memref<32x1024xf32, #tpu.memory_space<vmem>>, vector<1x16xf32>,
        %get3A_236 = vector.shape_cast %get3A_235 : vector<1x16xf32> to vector<16xf32>
        %mul3A_237 = arith.constant 3.200000e+01 : f32
        %mul3A_238 = vector.broadcast %mul3A_237 : f32 to vector<16xf32>
        %mul3A_239 = arith.mulf %get3A_236, %mul3A_238 : vector<16xf32>
        %get3A_240 = arith.index_cast %scan3A_30 : i32 to index
        %get3A_241 = arith.constant 192 : index
        %get3A_242 = tpu.vector_load %arg8[%get3A_240, %get3A_241] {strides = array<i32>} : memref<32x1024xf32, #tpu.memory_space<vmem>>, vector<1x16xf32>,
        %get3A_243 = vector.shape_cast %get3A_242 : vector<1x16xf32> to vector<16xf32>
        %add3A_244 = arith.addf %mul3A_239, %get3A_243 : vector<16xf32>
        %swap3A_245 = arith.index_cast %scan3A_30 : i32 to index
        %swap3A_246 = arith.constant 192 : index
        %swap3A_247 = tpu.vector_load %arg7[%swap3A_245, %swap3A_246] {strides = array<i32>} : memref<32x1024xf32, #tpu.memory_space<vmem>>, vector<1x16xf32>,
        %swap3A_248 = vector.shape_cast %swap3A_247 : vector<1x16xf32> to vector<16xf32>
        %swap3A_249 = vector.shape_cast %add3A_244 : vector<16xf32> to vector<1x16xf32>
        tpu.vector_store %arg7[%swap3A_245, %swap3A_246], %swap3A_249 {strides = array<i32>} : memref<32x1024xf32, #tpu.memory_space<vmem>>, vector<1x16xf32>,
        %get3A_250 = arith.index_cast %scan3A_30 : i32 to index
        %get3A_251 = arith.constant 208 : index
        %get3A_252 = tpu.vector_load %arg7[%get3A_250, %get3A_251] {strides = array<i32>} : memref<32x1024xf32, #tpu.memory_space<vmem>>, vector<1x16xf32>,
        %get3A_253 = vector.shape_cast %get3A_252 : vector<1x16xf32> to vector<16xf32>
        %mul3A_254 = arith.constant 3.200000e+01 : f32
        %mul3A_255 = vector.broadcast %mul3A_254 : f32 to vector<16xf32>
        %mul3A_256 = arith.mulf %get3A_253, %mul3A_255 : vector<16xf32>
        %get3A_257 = arith.index_cast %scan3A_30 : i32 to index
        %get3A_258 = arith.constant 208 : index
        %get3A_259 = tpu.vector_load %arg8[%get3A_257, %get3A_258] {strides = array<i32>} : memref<32x1024xf32, #tpu.memory_space<vmem>>, vector<1x16xf32>,
        %get3A_260 = vector.shape_cast %get3A_259 : vector<1x16xf32> to vector<16xf32>
        %add3A_261 = arith.addf %mul3A_256, %get3A_260 : vector<16xf32>
        %swap3A_262 = arith.index_cast %scan3A_30 : i32 to index
        %swap3A_263 = arith.constant 208 : index
        %swap3A_264 = tpu.vector_load %arg7[%swap3A_262, %swap3A_263] {strides = array<i32>} : memref<32x1024xf32, #tpu.memory_space<vmem>>, vector<1x16xf32>,
        %swap3A_265 = vector.shape_cast %swap3A_264 : vector<1x16xf32> to vector<16xf32>
        %swap3A_266 = vector.shape_cast %add3A_261 : vector<16xf32> to vector<1x16xf32>
        tpu.vector_store %arg7[%swap3A_262, %swap3A_263], %swap3A_266 {strides = array<i32>} : memref<32x1024xf32, #tpu.memory_space<vmem>>, vector<1x16xf32>,
        %get3A_267 = arith.index_cast %scan3A_30 : i32 to index
        %get3A_268 = arith.constant 224 : index
        %get3A_269 = tpu.vector_load %arg7[%get3A_267, %get3A_268] {strides = array<i32>} : memref<32x1024xf32, #tpu.memory_space<vmem>>, vector<1x16xf32>,
        %get3A_270 = vector.shape_cast %get3A_269 : vector<1x16xf32> to vector<16xf32>
        %mul3A_271 = arith.constant 3.200000e+01 : f32
        %mul3A_272 = vector.broadcast %mul3A_271 : f32 to vector<16xf32>
        %mul3A_273 = arith.mulf %get3A_270, %mul3A_272 : vector<16xf32>
        %get3A_274 = arith.index_cast %scan3A_30 : i32 to index
        %get3A_275 = arith.constant 224 : index
        %get3A_276 = tpu.vector_load %arg8[%get3A_274, %get3A_275] {strides = array<i32>} : memref<32x1024xf32, #tpu.memory_space<vmem>>, vector<1x16xf32>,
        %get3A_277 = vector.shape_cast %get3A_276 : vector<1x16xf32> to vector<16xf32>
        %add3A_278 = arith.addf %mul3A_273, %get3A_277 : vector<16xf32>
        %swap3A_279 = arith.index_cast %scan3A_30 : i32 to index
        %swap3A_280 = arith.constant 224 : index
        %swap3A_281 = tpu.vector_load %arg7[%swap3A_279, %swap3A_280] {strides = array<i32>} : memref<32x1024xf32, #tpu.memory_space<vmem>>, vector<1x16xf32>,
        %swap3A_282 = vector.shape_cast %swap3A_281 : vector<1x16xf32> to vector<16xf32>
        %swap3A_283 = vector.shape_cast %add3A_278 : vector<16xf32> to vector<1x16xf32>
        tpu.vector_store %arg7[%swap3A_279, %swap3A_280], %swap3A_283 {strides = array<i32>} : memref<32x1024xf32, #tpu.memory_space<vmem>>, vector<1x16xf32>,
        %get3A_284 = arith.index_cast %scan3A_30 : i32 to index
        %get3A_285 = arith.constant 240 : index
        %get3A_286 = tpu.vector_load %arg7[%get3A_284, %get3A_285] {strides = array<i32>} : memref<32x1024xf32, #tpu.memory_space<vmem>>, vector<1x16xf32>,
        %get3A_287 = vector.shape_cast %get3A_286 : vector<1x16xf32> to vector<16xf32>
        %mul3A_288 = arith.constant 3.200000e+01 : f32
        %mul3A_289 = vector.broadcast %mul3A_288 : f32 to vector<16xf32>
        %mul3A_290 = arith.mulf %get3A_287, %mul3A_289 : vector<16xf32>
        %get3A_291 = arith.index_cast %scan3A_30 : i32 to index
        %get3A_292 = arith.constant 240 : index
        %get3A_293 = tpu.vector_load %arg8[%get3A_291, %get3A_292] {strides = array<i32>} : memref<32x1024xf32, #tpu.memory_space<vmem>>, vector<1x16xf32>,
        %get3A_294 = vector.shape_cast %get3A_293 : vector<1x16xf32> to vector<16xf32>
        %add3A_295 = arith.addf %mul3A_290, %get3A_294 : vector<16xf32>
        %swap3A_296 = arith.index_cast %scan3A_30 : i32 to index
        %swap3A_297 = arith.constant 240 : index
        %swap3A_298 = tpu.vector_load %arg7[%swap3A_296, %swap3A_297] {strides = array<i32>} : memref<32x1024xf32, #tpu.memory_space<vmem>>, vector<1x16xf32>,
        %swap3A_299 = vector.shape_cast %swap3A_298 : vector<1x16xf32> to vector<16xf32>
        %swap3A_300 = vector.shape_cast %add3A_295 : vector<16xf32> to vector<1x16xf32>
        tpu.vector_store %arg7[%swap3A_296, %swap3A_297], %swap3A_300 {strides = array<i32>} : memref<32x1024xf32, #tpu.memory_space<vmem>>, vector<1x16xf32>,
        %get3A_301 = arith.index_cast %scan3A_30 : i32 to index
        %get3A_302 = arith.constant 256 : index
        %get3A_303 = tpu.vector_load %arg7[%get3A_301, %get3A_302] {strides = array<i32>} : memref<32x1024xf32, #tpu.memory_space<vmem>>, vector<1x16xf32>,
        %get3A_304 = vector.shape_cast %get3A_303 : vector<1x16xf32> to vector<16xf32>
        %mul3A_305 = arith.constant 3.200000e+01 : f32
        %mul3A_306 = vector.broadcast %mul3A_305 : f32 to vector<16xf32>
        %mul3A_307 = arith.mulf %get3A_304, %mul3A_306 : vector<16xf32>
        %get3A_308 = arith.index_cast %scan3A_30 : i32 to index
        %get3A_309 = arith.constant 256 : index
        %get3A_310 = tpu.vector_load %arg8[%get3A_308, %get3A_309] {strides = array<i32>} : memref<32x1024xf32, #tpu.memory_space<vmem>>, vector<1x16xf32>,
        %get3A_311 = vector.shape_cast %get3A_310 : vector<1x16xf32> to vector<16xf32>
        %add3A_312 = arith.addf %mul3A_307, %get3A_311 : vector<16xf32>
        %swap3A_313 = arith.index_cast %scan3A_30 : i32 to index
        %swap3A_314 = arith.constant 256 : index
        %swap3A_315 = tpu.vector_load %arg7[%swap3A_313, %swap3A_314] {strides = array<i32>} : memref<32x1024xf32, #tpu.memory_space<vmem>>, vector<1x16xf32>,
        %swap3A_316 = vector.shape_cast %swap3A_315 : vector<1x16xf32> to vector<16xf32>
        %swap3A_317 = vector.shape_cast %add3A_312 : vector<16xf32> to vector<1x16xf32>
        tpu.vector_store %arg7[%swap3A_313, %swap3A_314], %swap3A_317 {strides = array<i32>} : memref<32x1024xf32, #tpu.memory_space<vmem>>, vector<1x16xf32>,
        %get3A_318 = arith.index_cast %scan3A_30 : i32 to index
        %get3A_319 = arith.constant 272 : index
        %get3A_320 = tpu.vector_load %arg7[%get3A_318, %get3A_319] {strides = array<i32>} : memref<32x1024xf32, #tpu.memory_space<vmem>>, vector<1x16xf32>,
        %get3A_321 = vector.shape_cast %get3A_320 : vector<1x16xf32> to vector<16xf32>
        %mul3A_322 = arith.constant 3.200000e+01 : f32
        %mul3A_323 = vector.broadcast %mul3A_322 : f32 to vector<16xf32>
        %mul3A_324 = arith.mulf %get3A_321, %mul3A_323 : vector<16xf32>
        %get3A_325 = arith.index_cast %scan3A_30 : i32 to index
        %get3A_326 = arith.constant 272 : index
        %get3A_327 = tpu.vector_load %arg8[%get3A_325, %get3A_326] {strides = array<i32>} : memref<32x1024xf32, #tpu.memory_space<vmem>>, vector<1x16xf32>,
        %get3A_328 = vector.shape_cast %get3A_327 : vector<1x16xf32> to vector<16xf32>
        %add3A_329 = arith.addf %mul3A_324, %get3A_328 : vector<16xf32>
        %swap3A_330 = arith.index_cast %scan3A_30 : i32 to index
        %swap3A_331 = arith.constant 272 : index
        %swap3A_332 = tpu.vector_load %arg7[%swap3A_330, %swap3A_331] {strides = array<i32>} : memref<32x1024xf32, #tpu.memory_space<vmem>>, vector<1x16xf32>,
        %swap3A_333 = vector.shape_cast %swap3A_332 : vector<1x16xf32> to vector<16xf32>
        %swap3A_334 = vector.shape_cast %add3A_329 : vector<16xf32> to vector<1x16xf32>
        tpu.vector_store %arg7[%swap3A_330, %swap3A_331], %swap3A_334 {strides = array<i32>} : memref<32x1024xf32, #tpu.memory_space<vmem>>, vector<1x16xf32>,
        %get3A_335 = arith.index_cast %scan3A_30 : i32 to index
        %get3A_336 = arith.constant 288 : index
        %get3A_337 = tpu.vector_load %arg7[%get3A_335, %get3A_336] {strides = array<i32>} : memref<32x1024xf32, #tpu.memory_space<vmem>>, vector<1x16xf32>,
        %get3A_338 = vector.shape_cast %get3A_337 : vector<1x16xf32> to vector<16xf32>
        %mul3A_339 = arith.constant 3.200000e+01 : f32
        %mul3A_340 = vector.broadcast %mul3A_339 : f32 to vector<16xf32>
        %mul3A_341 = arith.mulf %get3A_338, %mul3A_340 : vector<16xf32>
        %get3A_342 = arith.index_cast %scan3A_30 : i32 to index
        %get3A_343 = arith.constant 288 : index
        %get3A_344 = tpu.vector_load %arg8[%get3A_342, %get3A_343] {strides = array<i32>} : memref<32x1024xf32, #tpu.memory_space<vmem>>, vector<1x16xf32>,
        %get3A_345 = vector.shape_cast %get3A_344 : vector<1x16xf32> to vector<16xf32>
        %add3A_346 = arith.addf %mul3A_341, %get3A_345 : vector<16xf32>
        %swap3A_347 = arith.index_cast %scan3A_30 : i32 to index
        %swap3A_348 = arith.constant 288 : index
        %swap3A_349 = tpu.vector_load %arg7[%swap3A_347, %swap3A_348] {strides = array<i32>} : memref<32x1024xf32, #tpu.memory_space<vmem>>, vector<1x16xf32>,
        %swap3A_350 = vector.shape_cast %swap3A_349 : vector<1x16xf32> to vector<16xf32>
        %swap3A_351 = vector.shape_cast %add3A_346 : vector<16xf32> to vector<1x16xf32>
        tpu.vector_store %arg7[%swap3A_347, %swap3A_348], %swap3A_351 {strides = array<i32>} : memref<32x1024xf32, #tpu.memory_space<vmem>>, vector<1x16xf32>,
        %get3A_352 = arith.index_cast %scan3A_30 : i32 to index
        %get3A_353 = arith.constant 304 : index
        %get3A_354 = tpu.vector_load %arg7[%get3A_352, %get3A_353] {strides = array<i32>} : memref<32x1024xf32, #tpu.memory_space<vmem>>, vector<1x16xf32>,
        %get3A_355 = vector.shape_cast %get3A_354 : vector<1x16xf32> to vector<16xf32>
        %mul3A_356 = arith.constant 3.200000e+01 : f32
        %mul3A_357 = vector.broadcast %mul3A_356 : f32 to vector<16xf32>
        %mul3A_358 = arith.mulf %get3A_355, %mul3A_357 : vector<16xf32>
        %get3A_359 = arith.index_cast %scan3A_30 : i32 to index
        %get3A_360 = arith.constant 304 : index
        %get3A_361 = tpu.vector_load %arg8[%get3A_359, %get3A_360] {strides = array<i32>} : memref<32x1024xf32, #tpu.memory_space<vmem>>, vector<1x16xf32>,
        %get3A_362 = vector.shape_cast %get3A_361 : vector<1x16xf32> to vector<16xf32>
        %add3A_363 = arith.addf %mul3A_358, %get3A_362 : vector<16xf32>
        %swap3A_364 = arith.index_cast %scan3A_30 : i32 to index
        %swap3A_365 = arith.constant 304 : index
        %swap3A_366 = tpu.vector_load %arg7[%swap3A_364, %swap3A_365] {strides = array<i32>} : memref<32x1024xf32, #tpu.memory_space<vmem>>, vector<1x16xf32>,
        %swap3A_367 = vector.shape_cast %swap3A_366 : vector<1x16xf32> to vector<16xf32>
        %swap3A_368 = vector.shape_cast %add3A_363 : vector<16xf32> to vector<1x16xf32>
        tpu.vector_store %arg7[%swap3A_364, %swap3A_365], %swap3A_368 {strides = array<i32>} : memref<32x1024xf32, #tpu.memory_space<vmem>>, vector<1x16xf32>,
        %get3A_369 = arith.index_cast %scan3A_30 : i32 to index
        %get3A_370 = arith.constant 320 : index
        %get3A_371 = tpu.vector_load %arg7[%get3A_369, %get3A_370] {strides = array<i32>} : memref<32x1024xf32, #tpu.memory_space<vmem>>, vector<1x16xf32>,
        %get3A_372 = vector.shape_cast %get3A_371 : vector<1x16xf32> to vector<16xf32>
        %mul3A_373 = arith.constant 3.200000e+01 : f32
        %mul3A_374 = vector.broadcast %mul3A_373 : f32 to vector<16xf32>
        %mul3A_375 = arith.mulf %get3A_372, %mul3A_374 : vector<16xf32>
        %get3A_376 = arith.index_cast %scan3A_30 : i32 to index
        %get3A_377 = arith.constant 320 : index
        %get3A_378 = tpu.vector_load %arg8[%get3A_376, %get3A_377] {strides = array<i32>} : memref<32x1024xf32, #tpu.memory_space<vmem>>, vector<1x16xf32>,
        %get3A_379 = vector.shape_cast %get3A_378 : vector<1x16xf32> to vector<16xf32>
        %add3A_380 = arith.addf %mul3A_375, %get3A_379 : vector<16xf32>
        %swap3A_381 = arith.index_cast %scan3A_30 : i32 to index
        %swap3A_382 = arith.constant 320 : index
        %swap3A_383 = tpu.vector_load %arg7[%swap3A_381, %swap3A_382] {strides = array<i32>} : memref<32x1024xf32, #tpu.memory_space<vmem>>, vector<1x16xf32>,
        %swap3A_384 = vector.shape_cast %swap3A_383 : vector<1x16xf32> to vector<16xf32>
        %swap3A_385 = vector.shape_cast %add3A_380 : vector<16xf32> to vector<1x16xf32>
        tpu.vector_store %arg7[%swap3A_381, %swap3A_382], %swap3A_385 {strides = array<i32>} : memref<32x1024xf32, #tpu.memory_space<vmem>>, vector<1x16xf32>,
        %get3A_386 = arith.index_cast %scan3A_30 : i32 to index
        %get3A_387 = arith.constant 336 : index
        %get3A_388 = tpu.vector_load %arg7[%get3A_386, %get3A_387] {strides = array<i32>} : memref<32x1024xf32, #tpu.memory_space<vmem>>, vector<1x16xf32>,
        %get3A_389 = vector.shape_cast %get3A_388 : vector<1x16xf32> to vector<16xf32>
        %mul3A_390 = arith.constant 3.200000e+01 : f32
        %mul3A_391 = vector.broadcast %mul3A_390 : f32 to vector<16xf32>
        %mul3A_392 = arith.mulf %get3A_389, %mul3A_391 : vector<16xf32>
        %get3A_393 = arith.index_cast %scan3A_30 : i32 to index
        %get3A_394 = arith.constant 336 : index
        %get3A_395 = tpu.vector_load %arg8[%get3A_393, %get3A_394] {strides = array<i32>} : memref<32x1024xf32, #tpu.memory_space<vmem>>, vector<1x16xf32>,
        %get3A_396 = vector.shape_cast %get3A_395 : vector<1x16xf32> to vector<16xf32>
        %add3A_397 = arith.addf %mul3A_392, %get3A_396 : vector<16xf32>
        %swap3A_398 = arith.index_cast %scan3A_30 : i32 to index
        %swap3A_399 = arith.constant 336 : index
        %swap3A_400 = tpu.vector_load %arg7[%swap3A_398, %swap3A_399] {strides = array<i32>} : memref<32x1024xf32, #tpu.memory_space<vmem>>, vector<1x16xf32>,
        %swap3A_401 = vector.shape_cast %swap3A_400 : vector<1x16xf32> to vector<16xf32>
        %swap3A_402 = vector.shape_cast %add3A_397 : vector<16xf32> to vector<1x16xf32>
        tpu.vector_store %arg7[%swap3A_398, %swap3A_399], %swap3A_402 {strides = array<i32>} : memref<32x1024xf32, #tpu.memory_space<vmem>>, vector<1x16xf32>,
        %get3A_403 = arith.index_cast %scan3A_30 : i32 to index
        %get3A_404 = arith.constant 352 : index
        %get3A_405 = tpu.vector_load %arg7[%get3A_403, %get3A_404] {strides = array<i32>} : memref<32x1024xf32, #tpu.memory_space<vmem>>, vector<1x16xf32>,
        %get3A_406 = vector.shape_cast %get3A_405 : vector<1x16xf32> to vector<16xf32>
        %mul3A_407 = arith.constant 3.200000e+01 : f32
        %mul3A_408 = vector.broadcast %mul3A_407 : f32 to vector<16xf32>
        %mul3A_409 = arith.mulf %get3A_406, %mul3A_408 : vector<16xf32>
        %get3A_410 = arith.index_cast %scan3A_30 : i32 to index
        %get3A_411 = arith.constant 352 : index
        %get3A_412 = tpu.vector_load %arg8[%get3A_410, %get3A_411] {strides = array<i32>} : memref<32x1024xf32, #tpu.memory_space<vmem>>, vector<1x16xf32>,
        %get3A_413 = vector.shape_cast %get3A_412 : vector<1x16xf32> to vector<16xf32>
        %add3A_414 = arith.addf %mul3A_409, %get3A_413 : vector<16xf32>
        %swap3A_415 = arith.index_cast %scan3A_30 : i32 to index
        %swap3A_416 = arith.constant 352 : index
        %swap3A_417 = tpu.vector_load %arg7[%swap3A_415, %swap3A_416] {strides = array<i32>} : memref<32x1024xf32, #tpu.memory_space<vmem>>, vector<1x16xf32>,
        %swap3A_418 = vector.shape_cast %swap3A_417 : vector<1x16xf32> to vector<16xf32>
        %swap3A_419 = vector.shape_cast %add3A_414 : vector<16xf32> to vector<1x16xf32>
        tpu.vector_store %arg7[%swap3A_415, %swap3A_416], %swap3A_419 {strides = array<i32>} : memref<32x1024xf32, #tpu.memory_space<vmem>>, vector<1x16xf32>,
        %get3A_420 = arith.index_cast %scan3A_30 : i32 to index
        %get3A_421 = arith.constant 368 : index
        %get3A_422 = tpu.vector_load %arg7[%get3A_420, %get3A_421] {strides = array<i32>} : memref<32x1024xf32, #tpu.memory_space<vmem>>, vector<1x16xf32>,
        %get3A_423 = vector.shape_cast %get3A_422 : vector<1x16xf32> to vector<16xf32>
        %mul3A_424 = arith.constant 3.200000e+01 : f32
        %mul3A_425 = vector.broadcast %mul3A_424 : f32 to vector<16xf32>
        %mul3A_426 = arith.mulf %get3A_423, %mul3A_425 : vector<16xf32>
        %get3A_427 = arith.index_cast %scan3A_30 : i32 to index
        %get3A_428 = arith.constant 368 : index
        %get3A_429 = tpu.vector_load %arg8[%get3A_427, %get3A_428] {strides = array<i32>} : memref<32x1024xf32, #tpu.memory_space<vmem>>, vector<1x16xf32>,
        %get3A_430 = vector.shape_cast %get3A_429 : vector<1x16xf32> to vector<16xf32>
        %add3A_431 = arith.addf %mul3A_426, %get3A_430 : vector<16xf32>
        %swap3A_432 = arith.index_cast %scan3A_30 : i32 to index
        %swap3A_433 = arith.constant 368 : index
        %swap3A_434 = tpu.vector_load %arg7[%swap3A_432, %swap3A_433] {strides = array<i32>} : memref<32x1024xf32, #tpu.memory_space<vmem>>, vector<1x16xf32>,
        %swap3A_435 = vector.shape_cast %swap3A_434 : vector<1x16xf32> to vector<16xf32>
        %swap3A_436 = vector.shape_cast %add3A_431 : vector<16xf32> to vector<1x16xf32>
        tpu.vector_store %arg7[%swap3A_432, %swap3A_433], %swap3A_436 {strides = array<i32>} : memref<32x1024xf32, #tpu.memory_space<vmem>>, vector<1x16xf32>,
        %get3A_437 = arith.index_cast %scan3A_30 : i32 to index
        %get3A_438 = arith.constant 384 : index
        %get3A_439 = tpu.vector_load %arg7[%get3A_437, %get3A_438] {strides = array<i32>} : memref<32x1024xf32, #tpu.memory_space<vmem>>, vector<1x16xf32>,
        %get3A_440 = vector.shape_cast %get3A_439 : vector<1x16xf32> to vector<16xf32>
        %mul3A_441 = arith.constant 3.200000e+01 : f32
        %mul3A_442 = vector.broadcast %mul3A_441 : f32 to vector<16xf32>
        %mul3A_443 = arith.mulf %get3A_440, %mul3A_442 : vector<16xf32>
        %get3A_444 = arith.index_cast %scan3A_30 : i32 to index
        %get3A_445 = arith.constant 384 : index
        %get3A_446 = tpu.vector_load %arg8[%get3A_444, %get3A_445] {strides = array<i32>} : memref<32x1024xf32, #tpu.memory_space<vmem>>, vector<1x16xf32>,
        %get3A_447 = vector.shape_cast %get3A_446 : vector<1x16xf32> to vector<16xf32>
        %add3A_448 = arith.addf %mul3A_443, %get3A_447 : vector<16xf32>
        %swap3A_449 = arith.index_cast %scan3A_30 : i32 to index
        %swap3A_450 = arith.constant 384 : index
        %swap3A_451 = tpu.vector_load %arg7[%swap3A_449, %swap3A_450] {strides = array<i32>} : memref<32x1024xf32, #tpu.memory_space<vmem>>, vector<1x16xf32>,
        %swap3A_452 = vector.shape_cast %swap3A_451 : vector<1x16xf32> to vector<16xf32>
        %swap3A_453 = vector.shape_cast %add3A_448 : vector<16xf32> to vector<1x16xf32>
        tpu.vector_store %arg7[%swap3A_449, %swap3A_450], %swap3A_453 {strides = array<i32>} : memref<32x1024xf32, #tpu.memory_space<vmem>>, vector<1x16xf32>,
        %get3A_454 = arith.index_cast %scan3A_30 : i32 to index
        %get3A_455 = arith.constant 400 : index
        %get3A_456 = tpu.vector_load %arg7[%get3A_454, %get3A_455] {strides = array<i32>} : memref<32x1024xf32, #tpu.memory_space<vmem>>, vector<1x16xf32>,
        %get3A_457 = vector.shape_cast %get3A_456 : vector<1x16xf32> to vector<16xf32>
        %mul3A_458 = arith.constant 3.200000e+01 : f32
        %mul3A_459 = vector.broadcast %mul3A_458 : f32 to vector<16xf32>
        %mul3A_460 = arith.mulf %get3A_457, %mul3A_459 : vector<16xf32>
        %get3A_461 = arith.index_cast %scan3A_30 : i32 to index
        %get3A_462 = arith.constant 400 : index
        %get3A_463 = tpu.vector_load %arg8[%get3A_461, %get3A_462] {strides = array<i32>} : memref<32x1024xf32, #tpu.memory_space<vmem>>, vector<1x16xf32>,
        %get3A_464 = vector.shape_cast %get3A_463 : vector<1x16xf32> to vector<16xf32>
        %add3A_465 = arith.addf %mul3A_460, %get3A_464 : vector<16xf32>
        %swap3A_466 = arith.index_cast %scan3A_30 : i32 to index
        %swap3A_467 = arith.constant 400 : index
        %swap3A_468 = tpu.vector_load %arg7[%swap3A_466, %swap3A_467] {strides = array<i32>} : memref<32x1024xf32, #tpu.memory_space<vmem>>, vector<1x16xf32>,
        %swap3A_469 = vector.shape_cast %swap3A_468 : vector<1x16xf32> to vector<16xf32>
        %swap3A_470 = vector.shape_cast %add3A_465 : vector<16xf32> to vector<1x16xf32>
        tpu.vector_store %arg7[%swap3A_466, %swap3A_467], %swap3A_470 {strides = array<i32>} : memref<32x1024xf32, #tpu.memory_space<vmem>>, vector<1x16xf32>,
        %get3A_471 = arith.index_cast %scan3A_30 : i32 to index
        %get3A_472 = arith.constant 416 : index
        %get3A_473 = tpu.vector_load %arg7[%get3A_471, %get3A_472] {strides = array<i32>} : memref<32x1024xf32, #tpu.memory_space<vmem>>, vector<1x16xf32>,
        %get3A_474 = vector.shape_cast %get3A_473 : vector<1x16xf32> to vector<16xf32>
        %mul3A_475 = arith.constant 3.200000e+01 : f32
        %mul3A_476 = vector.broadcast %mul3A_475 : f32 to vector<16xf32>
        %mul3A_477 = arith.mulf %get3A_474, %mul3A_476 : vector<16xf32>
        %get3A_478 = arith.index_cast %scan3A_30 : i32 to index
        %get3A_479 = arith.constant 416 : index
        %get3A_480 = tpu.vector_load %arg8[%get3A_478, %get3A_479] {strides = array<i32>} : memref<32x1024xf32, #tpu.memory_space<vmem>>, vector<1x16xf32>,
        %get3A_481 = vector.shape_cast %get3A_480 : vector<1x16xf32> to vector<16xf32>
        %add3A_482 = arith.addf %mul3A_477, %get3A_481 : vector<16xf32>
        %swap3A_483 = arith.index_cast %scan3A_30 : i32 to index
        %swap3A_484 = arith.constant 416 : index
        %swap3A_485 = tpu.vector_load %arg7[%swap3A_483, %swap3A_484] {strides = array<i32>} : memref<32x1024xf32, #tpu.memory_space<vmem>>, vector<1x16xf32>,
        %swap3A_486 = vector.shape_cast %swap3A_485 : vector<1x16xf32> to vector<16xf32>
        %swap3A_487 = vector.shape_cast %add3A_482 : vector<16xf32> to vector<1x16xf32>
        tpu.vector_store %arg7[%swap3A_483, %swap3A_484], %swap3A_487 {strides = array<i32>} : memref<32x1024xf32, #tpu.memory_space<vmem>>, vector<1x16xf32>,
        %get3A_488 = arith.index_cast %scan3A_30 : i32 to index
        %get3A_489 = arith.constant 432 : index
        %get3A_490 = tpu.vector_load %arg7[%get3A_488, %get3A_489] {strides = array<i32>} : memref<32x1024xf32, #tpu.memory_space<vmem>>, vector<1x16xf32>,
        %get3A_491 = vector.shape_cast %get3A_490 : vector<1x16xf32> to vector<16xf32>
        %mul3A_492 = arith.constant 3.200000e+01 : f32
        %mul3A_493 = vector.broadcast %mul3A_492 : f32 to vector<16xf32>
        %mul3A_494 = arith.mulf %get3A_491, %mul3A_493 : vector<16xf32>
        %get3A_495 = arith.index_cast %scan3A_30 : i32 to index
        %get3A_496 = arith.constant 432 : index
        %get3A_497 = tpu.vector_load %arg8[%get3A_495, %get3A_496] {strides = array<i32>} : memref<32x1024xf32, #tpu.memory_space<vmem>>, vector<1x16xf32>,
        %get3A_498 = vector.shape_cast %get3A_497 : vector<1x16xf32> to vector<16xf32>
        %add3A_499 = arith.addf %mul3A_494, %get3A_498 : vector<16xf32>
        %swap3A_500 = arith.index_cast %scan3A_30 : i32 to index
        %swap3A_501 = arith.constant 432 : index
        %swap3A_502 = tpu.vector_load %arg7[%swap3A_500, %swap3A_501] {strides = array<i32>} : memref<32x1024xf32, #tpu.memory_space<vmem>>, vector<1x16xf32>,
        %swap3A_503 = vector.shape_cast %swap3A_502 : vector<1x16xf32> to vector<16xf32>
        %swap3A_504 = vector.shape_cast %add3A_499 : vector<16xf32> to vector<1x16xf32>
        tpu.vector_store %arg7[%swap3A_500, %swap3A_501], %swap3A_504 {strides = array<i32>} : memref<32x1024xf32, #tpu.memory_space<vmem>>, vector<1x16xf32>,
        %get3A_505 = arith.index_cast %scan3A_30 : i32 to index
        %get3A_506 = arith.constant 448 : index
        %get3A_507 = tpu.vector_load %arg7[%get3A_505, %get3A_506] {strides = array<i32>} : memref<32x1024xf32, #tpu.memory_space<vmem>>, vector<1x16xf32>,
        %get3A_508 = vector.shape_cast %get3A_507 : vector<1x16xf32> to vector<16xf32>
        %mul3A_509 = arith.constant 3.200000e+01 : f32
        %mul3A_510 = vector.broadcast %mul3A_509 : f32 to vector<16xf32>
        %mul3A_511 = arith.mulf %get3A_508, %mul3A_510 : vector<16xf32>
        %get3A_512 = arith.index_cast %scan3A_30 : i32 to index
        %get3A_513 = arith.constant 448 : index
        %get3A_514 = tpu.vector_load %arg8[%get3A_512, %get3A_513] {strides = array<i32>} : memref<32x1024xf32, #tpu.memory_space<vmem>>, vector<1x16xf32>,
        %get3A_515 = vector.shape_cast %get3A_514 : vector<1x16xf32> to vector<16xf32>
        %add3A_516 = arith.addf %mul3A_511, %get3A_515 : vector<16xf32>
        %swap3A_517 = arith.index_cast %scan3A_30 : i32 to index
        %swap3A_518 = arith.constant 448 : index
        %swap3A_519 = tpu.vector_load %arg7[%swap3A_517, %swap3A_518] {strides = array<i32>} : memref<32x1024xf32, #tpu.memory_space<vmem>>, vector<1x16xf32>,
        %swap3A_520 = vector.shape_cast %swap3A_519 : vector<1x16xf32> to vector<16xf32>
        %swap3A_521 = vector.shape_cast %add3A_516 : vector<16xf32> to vector<1x16xf32>
        tpu.vector_store %arg7[%swap3A_517, %swap3A_518], %swap3A_521 {strides = array<i32>} : memref<32x1024xf32, #tpu.memory_space<vmem>>, vector<1x16xf32>,
        %get3A_522 = arith.index_cast %scan3A_30 : i32 to index
        %get3A_523 = arith.constant 464 : index
        %get3A_524 = tpu.vector_load %arg7[%get3A_522, %get3A_523] {strides = array<i32>} : memref<32x1024xf32, #tpu.memory_space<vmem>>, vector<1x16xf32>,
        %get3A_525 = vector.shape_cast %get3A_524 : vector<1x16xf32> to vector<16xf32>
        %mul3A_526 = arith.constant 3.200000e+01 : f32
        %mul3A_527 = vector.broadcast %mul3A_526 : f32 to vector<16xf32>
        %mul3A_528 = arith.mulf %get3A_525, %mul3A_527 : vector<16xf32>
        %get3A_529 = arith.index_cast %scan3A_30 : i32 to index
        %get3A_530 = arith.constant 464 : index
        %get3A_531 = tpu.vector_load %arg8[%get3A_529, %get3A_530] {strides = array<i32>} : memref<32x1024xf32, #tpu.memory_space<vmem>>, vector<1x16xf32>,
        %get3A_532 = vector.shape_cast %get3A_531 : vector<1x16xf32> to vector<16xf32>
        %add3A_533 = arith.addf %mul3A_528, %get3A_532 : vector<16xf32>
        %swap3A_534 = arith.index_cast %scan3A_30 : i32 to index
        %swap3A_535 = arith.constant 464 : index
        %swap3A_536 = tpu.vector_load %arg7[%swap3A_534, %swap3A_535] {strides = array<i32>} : memref<32x1024xf32, #tpu.memory_space<vmem>>, vector<1x16xf32>,
        %swap3A_537 = vector.shape_cast %swap3A_536 : vector<1x16xf32> to vector<16xf32>
        %swap3A_538 = vector.shape_cast %add3A_533 : vector<16xf32> to vector<1x16xf32>
        tpu.vector_store %arg7[%swap3A_534, %swap3A_535], %swap3A_538 {strides = array<i32>} : memref<32x1024xf32, #tpu.memory_space<vmem>>, vector<1x16xf32>,
        %get3A_539 = arith.index_cast %scan3A_30 : i32 to index
        %get3A_540 = arith.constant 480 : index
        %get3A_541 = tpu.vector_load %arg7[%get3A_539, %get3A_540] {strides = array<i32>} : memref<32x1024xf32, #tpu.memory_space<vmem>>, vector<1x16xf32>,
        %get3A_542 = vector.shape_cast %get3A_541 : vector<1x16xf32> to vector<16xf32>
        %mul3A_543 = arith.constant 3.200000e+01 : f32
        %mul3A_544 = vector.broadcast %mul3A_543 : f32 to vector<16xf32>
        %mul3A_545 = arith.mulf %get3A_542, %mul3A_544 : vector<16xf32>
        %get3A_546 = arith.index_cast %scan3A_30 : i32 to index
        %get3A_547 = arith.constant 480 : index
        %get3A_548 = tpu.vector_load %arg8[%get3A_546, %get3A_547] {strides = array<i32>} : memref<32x1024xf32, #tpu.memory_space<vmem>>, vector<1x16xf32>,
        %get3A_549 = vector.shape_cast %get3A_548 : vector<1x16xf32> to vector<16xf32>
        %add3A_550 = arith.addf %mul3A_545, %get3A_549 : vector<16xf32>
        %swap3A_551 = arith.index_cast %scan3A_30 : i32 to index
        %swap3A_552 = arith.constant 480 : index
        %swap3A_553 = tpu.vector_load %arg7[%swap3A_551, %swap3A_552] {strides = array<i32>} : memref<32x1024xf32, #tpu.memory_space<vmem>>, vector<1x16xf32>,
        %swap3A_554 = vector.shape_cast %swap3A_553 : vector<1x16xf32> to vector<16xf32>
        %swap3A_555 = vector.shape_cast %add3A_550 : vector<16xf32> to vector<1x16xf32>
        tpu.vector_store %arg7[%swap3A_551, %swap3A_552], %swap3A_555 {strides = array<i32>} : memref<32x1024xf32, #tpu.memory_space<vmem>>, vector<1x16xf32>,
        %get3A_556 = arith.index_cast %scan3A_30 : i32 to index
        %get3A_557 = arith.constant 496 : index
        %get3A_558 = tpu.vector_load %arg7[%get3A_556, %get3A_557] {strides = array<i32>} : memref<32x1024xf32, #tpu.memory_space<vmem>>, vector<1x16xf32>,
        %get3A_559 = vector.shape_cast %get3A_558 : vector<1x16xf32> to vector<16xf32>
        %mul3A_560 = arith.constant 3.200000e+01 : f32
        %mul3A_561 = vector.broadcast %mul3A_560 : f32 to vector<16xf32>
        %mul3A_562 = arith.mulf %get3A_559, %mul3A_561 : vector<16xf32>
        %get3A_563 = arith.index_cast %scan3A_30 : i32 to index
        %get3A_564 = arith.constant 496 : index
        %get3A_565 = tpu.vector_load %arg8[%get3A_563, %get3A_564] {strides = array<i32>} : memref<32x1024xf32, #tpu.memory_space<vmem>>, vector<1x16xf32>,
        %get3A_566 = vector.shape_cast %get3A_565 : vector<1x16xf32> to vector<16xf32>
        %add3A_567 = arith.addf %mul3A_562, %get3A_566 : vector<16xf32>
        %swap3A_568 = arith.index_cast %scan3A_30 : i32 to index
        %swap3A_569 = arith.constant 496 : index
        %swap3A_570 = tpu.vector_load %arg7[%swap3A_568, %swap3A_569] {strides = array<i32>} : memref<32x1024xf32, #tpu.memory_space<vmem>>, vector<1x16xf32>,
        %swap3A_571 = vector.shape_cast %swap3A_570 : vector<1x16xf32> to vector<16xf32>
        %swap3A_572 = vector.shape_cast %add3A_567 : vector<16xf32> to vector<1x16xf32>
        tpu.vector_store %arg7[%swap3A_568, %swap3A_569], %swap3A_572 {strides = array<i32>} : memref<32x1024xf32, #tpu.memory_space<vmem>>, vector<1x16xf32>,
        %get3A_573 = arith.index_cast %scan3A_30 : i32 to index
        %get3A_574 = arith.constant 512 : index
        %get3A_575 = tpu.vector_load %arg7[%get3A_573, %get3A_574] {strides = array<i32>} : memref<32x1024xf32, #tpu.memory_space<vmem>>, vector<1x16xf32>,
        %get3A_576 = vector.shape_cast %get3A_575 : vector<1x16xf32> to vector<16xf32>
        %mul3A_577 = arith.constant 3.200000e+01 : f32
        %mul3A_578 = vector.broadcast %mul3A_577 : f32 to vector<16xf32>
        %mul3A_579 = arith.mulf %get3A_576, %mul3A_578 : vector<16xf32>
        %get3A_580 = arith.index_cast %scan3A_30 : i32 to index
        %get3A_581 = arith.constant 512 : index
        %get3A_582 = tpu.vector_load %arg8[%get3A_580, %get3A_581] {strides = array<i32>} : memref<32x1024xf32, #tpu.memory_space<vmem>>, vector<1x16xf32>,
        %get3A_583 = vector.shape_cast %get3A_582 : vector<1x16xf32> to vector<16xf32>
        %add3A_584 = arith.addf %mul3A_579, %get3A_583 : vector<16xf32>
        %swap3A_585 = arith.index_cast %scan3A_30 : i32 to index
        %swap3A_586 = arith.constant 512 : index
        %swap3A_587 = tpu.vector_load %arg7[%swap3A_585, %swap3A_586] {strides = array<i32>} : memref<32x1024xf32, #tpu.memory_space<vmem>>, vector<1x16xf32>,
        %swap3A_588 = vector.shape_cast %swap3A_587 : vector<1x16xf32> to vector<16xf32>
        %swap3A_589 = vector.shape_cast %add3A_584 : vector<16xf32> to vector<1x16xf32>
        tpu.vector_store %arg7[%swap3A_585, %swap3A_586], %swap3A_589 {strides = array<i32>} : memref<32x1024xf32, #tpu.memory_space<vmem>>, vector<1x16xf32>,
        %get3A_590 = arith.index_cast %scan3A_30 : i32 to index
        %get3A_591 = arith.constant 528 : index
        %get3A_592 = tpu.vector_load %arg7[%get3A_590, %get3A_591] {strides = array<i32>} : memref<32x1024xf32, #tpu.memory_space<vmem>>, vector<1x16xf32>,
        %get3A_593 = vector.shape_cast %get3A_592 : vector<1x16xf32> to vector<16xf32>
        %mul3A_594 = arith.constant 3.200000e+01 : f32
        %mul3A_595 = vector.broadcast %mul3A_594 : f32 to vector<16xf32>
        %mul3A_596 = arith.mulf %get3A_593, %mul3A_595 : vector<16xf32>
        %get3A_597 = arith.index_cast %scan3A_30 : i32 to index
        %get3A_598 = arith.constant 528 : index
        %get3A_599 = tpu.vector_load %arg8[%get3A_597, %get3A_598] {strides = array<i32>} : memref<32x1024xf32, #tpu.memory_space<vmem>>, vector<1x16xf32>,
        %get3A_600 = vector.shape_cast %get3A_599 : vector<1x16xf32> to vector<16xf32>
        %add3A_601 = arith.addf %mul3A_596, %get3A_600 : vector<16xf32>
        %swap3A_602 = arith.index_cast %scan3A_30 : i32 to index
        %swap3A_603 = arith.constant 528 : index
        %swap3A_604 = tpu.vector_load %arg7[%swap3A_602, %swap3A_603] {strides = array<i32>} : memref<32x1024xf32, #tpu.memory_space<vmem>>, vector<1x16xf32>,
        %swap3A_605 = vector.shape_cast %swap3A_604 : vector<1x16xf32> to vector<16xf32>
        %swap3A_606 = vector.shape_cast %add3A_601 : vector<16xf32> to vector<1x16xf32>
        tpu.vector_store %arg7[%swap3A_602, %swap3A_603], %swap3A_606 {strides = array<i32>} : memref<32x1024xf32, #tpu.memory_space<vmem>>, vector<1x16xf32>,
        %get3A_607 = arith.index_cast %scan3A_30 : i32 to index
        %get3A_608 = arith.constant 544 : index
        %get3A_609 = tpu.vector_load %arg7[%get3A_607, %get3A_608] {strides = array<i32>} : memref<32x1024xf32, #tpu.memory_space<vmem>>, vector<1x16xf32>,
        %get3A_610 = vector.shape_cast %get3A_609 : vector<1x16xf32> to vector<16xf32>
        %mul3A_611 = arith.constant 3.200000e+01 : f32
        %mul3A_612 = vector.broadcast %mul3A_611 : f32 to vector<16xf32>
        %mul3A_613 = arith.mulf %get3A_610, %mul3A_612 : vector<16xf32>
        %get3A_614 = arith.index_cast %scan3A_30 : i32 to index
        %get3A_615 = arith.constant 544 : index
        %get3A_616 = tpu.vector_load %arg8[%get3A_614, %get3A_615] {strides = array<i32>} : memref<32x1024xf32, #tpu.memory_space<vmem>>, vector<1x16xf32>,
        %get3A_617 = vector.shape_cast %get3A_616 : vector<1x16xf32> to vector<16xf32>
        %add3A_618 = arith.addf %mul3A_613, %get3A_617 : vector<16xf32>
        %swap3A_619 = arith.index_cast %scan3A_30 : i32 to index
        %swap3A_620 = arith.constant 544 : index
        %swap3A_621 = tpu.vector_load %arg7[%swap3A_619, %swap3A_620] {strides = array<i32>} : memref<32x1024xf32, #tpu.memory_space<vmem>>, vector<1x16xf32>,
        %swap3A_622 = vector.shape_cast %swap3A_621 : vector<1x16xf32> to vector<16xf32>
        %swap3A_623 = vector.shape_cast %add3A_618 : vector<16xf32> to vector<1x16xf32>
        tpu.vector_store %arg7[%swap3A_619, %swap3A_620], %swap3A_623 {strides = array<i32>} : memref<32x1024xf32, #tpu.memory_space<vmem>>, vector<1x16xf32>,
        %get3A_624 = arith.index_cast %scan3A_30 : i32 to index
        %get3A_625 = arith.constant 560 : index
        %get3A_626 = tpu.vector_load %arg7[%get3A_624, %get3A_625] {strides = array<i32>} : memref<32x1024xf32, #tpu.memory_space<vmem>>, vector<1x16xf32>,
        %get3A_627 = vector.shape_cast %get3A_626 : vector<1x16xf32> to vector<16xf32>
        %mul3A_628 = arith.constant 3.200000e+01 : f32
        %mul3A_629 = vector.broadcast %mul3A_628 : f32 to vector<16xf32>
        %mul3A_630 = arith.mulf %get3A_627, %mul3A_629 : vector<16xf32>
        %get3A_631 = arith.index_cast %scan3A_30 : i32 to index
        %get3A_632 = arith.constant 560 : index
        %get3A_633 = tpu.vector_load %arg8[%get3A_631, %get3A_632] {strides = array<i32>} : memref<32x1024xf32, #tpu.memory_space<vmem>>, vector<1x16xf32>,
        %get3A_634 = vector.shape_cast %get3A_633 : vector<1x16xf32> to vector<16xf32>
        %add3A_635 = arith.addf %mul3A_630, %get3A_634 : vector<16xf32>
        %swap3A_636 = arith.index_cast %scan3A_30 : i32 to index
        %swap3A_637 = arith.constant 560 : index
        %swap3A_638 = tpu.vector_load %arg7[%swap3A_636, %swap3A_637] {strides = array<i32>} : memref<32x1024xf32, #tpu.memory_space<vmem>>, vector<1x16xf32>,
        %swap3A_639 = vector.shape_cast %swap3A_638 : vector<1x16xf32> to vector<16xf32>
        %swap3A_640 = vector.shape_cast %add3A_635 : vector<16xf32> to vector<1x16xf32>
        tpu.vector_store %arg7[%swap3A_636, %swap3A_637], %swap3A_640 {strides = array<i32>} : memref<32x1024xf32, #tpu.memory_space<vmem>>, vector<1x16xf32>,
        %get3A_641 = arith.index_cast %scan3A_30 : i32 to index
        %get3A_642 = arith.constant 576 : index
        %get3A_643 = tpu.vector_load %arg7[%get3A_641, %get3A_642] {strides = array<i32>} : memref<32x1024xf32, #tpu.memory_space<vmem>>, vector<1x16xf32>,
        %get3A_644 = vector.shape_cast %get3A_643 : vector<1x16xf32> to vector<16xf32>
        %mul3A_645 = arith.constant 3.200000e+01 : f32
        %mul3A_646 = vector.broadcast %mul3A_645 : f32 to vector<16xf32>
        %mul3A_647 = arith.mulf %get3A_644, %mul3A_646 : vector<16xf32>
        %get3A_648 = arith.index_cast %scan3A_30 : i32 to index
        %get3A_649 = arith.constant 576 : index
        %get3A_650 = tpu.vector_load %arg8[%get3A_648, %get3A_649] {strides = array<i32>} : memref<32x1024xf32, #tpu.memory_space<vmem>>, vector<1x16xf32>,
        %get3A_651 = vector.shape_cast %get3A_650 : vector<1x16xf32> to vector<16xf32>
        %add3A_652 = arith.addf %mul3A_647, %get3A_651 : vector<16xf32>
        %swap3A_653 = arith.index_cast %scan3A_30 : i32 to index
        %swap3A_654 = arith.constant 576 : index
        %swap3A_655 = tpu.vector_load %arg7[%swap3A_653, %swap3A_654] {strides = array<i32>} : memref<32x1024xf32, #tpu.memory_space<vmem>>, vector<1x16xf32>,
        %swap3A_656 = vector.shape_cast %swap3A_655 : vector<1x16xf32> to vector<16xf32>
        %swap3A_657 = vector.shape_cast %add3A_652 : vector<16xf32> to vector<1x16xf32>
        tpu.vector_store %arg7[%swap3A_653, %swap3A_654], %swap3A_657 {strides = array<i32>} : memref<32x1024xf32, #tpu.memory_space<vmem>>, vector<1x16xf32>,
        %get3A_658 = arith.index_cast %scan3A_30 : i32 to index
        %get3A_659 = arith.constant 592 : index
        %get3A_660 = tpu.vector_load %arg7[%get3A_658, %get3A_659] {strides = array<i32>} : memref<32x1024xf32, #tpu.memory_space<vmem>>, vector<1x16xf32>,
        %get3A_661 = vector.shape_cast %get3A_660 : vector<1x16xf32> to vector<16xf32>
        %mul3A_662 = arith.constant 3.200000e+01 : f32
        %mul3A_663 = vector.broadcast %mul3A_662 : f32 to vector<16xf32>
        %mul3A_664 = arith.mulf %get3A_661, %mul3A_663 : vector<16xf32>
        %get3A_665 = arith.index_cast %scan3A_30 : i32 to index
        %get3A_666 = arith.constant 592 : index
        %get3A_667 = tpu.vector_load %arg8[%get3A_665, %get3A_666] {strides = array<i32>} : memref<32x1024xf32, #tpu.memory_space<vmem>>, vector<1x16xf32>,
        %get3A_668 = vector.shape_cast %get3A_667 : vector<1x16xf32> to vector<16xf32>
        %add3A_669 = arith.addf %mul3A_664, %get3A_668 : vector<16xf32>
        %swap3A_670 = arith.index_cast %scan3A_30 : i32 to index
        %swap3A_671 = arith.constant 592 : index
        %swap3A_672 = tpu.vector_load %arg7[%swap3A_670, %swap3A_671] {strides = array<i32>} : memref<32x1024xf32, #tpu.memory_space<vmem>>, vector<1x16xf32>,
        %swap3A_673 = vector.shape_cast %swap3A_672 : vector<1x16xf32> to vector<16xf32>
        %swap3A_674 = vector.shape_cast %add3A_669 : vector<16xf32> to vector<1x16xf32>
        tpu.vector_store %arg7[%swap3A_670, %swap3A_671], %swap3A_674 {strides = array<i32>} : memref<32x1024xf32, #tpu.memory_space<vmem>>, vector<1x16xf32>,
        %get3A_675 = arith.index_cast %scan3A_30 : i32 to index
        %get3A_676 = arith.constant 608 : index
        %get3A_677 = tpu.vector_load %arg7[%get3A_675, %get3A_676] {strides = array<i32>} : memref<32x1024xf32, #tpu.memory_space<vmem>>, vector<1x16xf32>,
        %get3A_678 = vector.shape_cast %get3A_677 : vector<1x16xf32> to vector<16xf32>
        %mul3A_679 = arith.constant 3.200000e+01 : f32
        %mul3A_680 = vector.broadcast %mul3A_679 : f32 to vector<16xf32>
        %mul3A_681 = arith.mulf %get3A_678, %mul3A_680 : vector<16xf32>
        %get3A_682 = arith.index_cast %scan3A_30 : i32 to index
        %get3A_683 = arith.constant 608 : index
        %get3A_684 = tpu.vector_load %arg8[%get3A_682, %get3A_683] {strides = array<i32>} : memref<32x1024xf32, #tpu.memory_space<vmem>>, vector<1x16xf32>,
        %get3A_685 = vector.shape_cast %get3A_684 : vector<1x16xf32> to vector<16xf32>
        %add3A_686 = arith.addf %mul3A_681, %get3A_685 : vector<16xf32>
        %swap3A_687 = arith.index_cast %scan3A_30 : i32 to index
        %swap3A_688 = arith.constant 608 : index
        %swap3A_689 = tpu.vector_load %arg7[%swap3A_687, %swap3A_688] {strides = array<i32>} : memref<32x1024xf32, #tpu.memory_space<vmem>>, vector<1x16xf32>,
        %swap3A_690 = vector.shape_cast %swap3A_689 : vector<1x16xf32> to vector<16xf32>
        %swap3A_691 = vector.shape_cast %add3A_686 : vector<16xf32> to vector<1x16xf32>
        tpu.vector_store %arg7[%swap3A_687, %swap3A_688], %swap3A_691 {strides = array<i32>} : memref<32x1024xf32, #tpu.memory_space<vmem>>, vector<1x16xf32>,
        %get3A_692 = arith.index_cast %scan3A_30 : i32 to index
        %get3A_693 = arith.constant 624 : index
        %get3A_694 = tpu.vector_load %arg7[%get3A_692, %get3A_693] {strides = array<i32>} : memref<32x1024xf32, #tpu.memory_space<vmem>>, vector<1x16xf32>,
        %get3A_695 = vector.shape_cast %get3A_694 : vector<1x16xf32> to vector<16xf32>
        %mul3A_696 = arith.constant 3.200000e+01 : f32
        %mul3A_697 = vector.broadcast %mul3A_696 : f32 to vector<16xf32>
        %mul3A_698 = arith.mulf %get3A_695, %mul3A_697 : vector<16xf32>
        %get3A_699 = arith.index_cast %scan3A_30 : i32 to index
        %get3A_700 = arith.constant 624 : index
        %get3A_701 = tpu.vector_load %arg8[%get3A_699, %get3A_700] {strides = array<i32>} : memref<32x1024xf32, #tpu.memory_space<vmem>>, vector<1x16xf32>,
        %get3A_702 = vector.shape_cast %get3A_701 : vector<1x16xf32> to vector<16xf32>
        %add3A_703 = arith.addf %mul3A_698, %get3A_702 : vector<16xf32>
        %swap3A_704 = arith.index_cast %scan3A_30 : i32 to index
        %swap3A_705 = arith.constant 624 : index
        %swap3A_706 = tpu.vector_load %arg7[%swap3A_704, %swap3A_705] {strides = array<i32>} : memref<32x1024xf32, #tpu.memory_space<vmem>>, vector<1x16xf32>,
        %swap3A_707 = vector.shape_cast %swap3A_706 : vector<1x16xf32> to vector<16xf32>
        %swap3A_708 = vector.shape_cast %add3A_703 : vector<16xf32> to vector<1x16xf32>
        tpu.vector_store %arg7[%swap3A_704, %swap3A_705], %swap3A_708 {strides = array<i32>} : memref<32x1024xf32, #tpu.memory_space<vmem>>, vector<1x16xf32>,
        %get3A_709 = arith.index_cast %scan3A_30 : i32 to index
        %get3A_710 = arith.constant 640 : index
        %get3A_711 = tpu.vector_load %arg7[%get3A_709, %get3A_710] {strides = array<i32>} : memref<32x1024xf32, #tpu.memory_space<vmem>>, vector<1x16xf32>,
        %get3A_712 = vector.shape_cast %get3A_711 : vector<1x16xf32> to vector<16xf32>
        %mul3A_713 = arith.constant 3.200000e+01 : f32
        %mul3A_714 = vector.broadcast %mul3A_713 : f32 to vector<16xf32>
        %mul3A_715 = arith.mulf %get3A_712, %mul3A_714 : vector<16xf32>
        %get3A_716 = arith.index_cast %scan3A_30 : i32 to index
        %get3A_717 = arith.constant 640 : index
        %get3A_718 = tpu.vector_load %arg8[%get3A_716, %get3A_717] {strides = array<i32>} : memref<32x1024xf32, #tpu.memory_space<vmem>>, vector<1x16xf32>,
        %get3A_719 = vector.shape_cast %get3A_718 : vector<1x16xf32> to vector<16xf32>
        %add3A_720 = arith.addf %mul3A_715, %get3A_719 : vector<16xf32>
        %swap3A_721 = arith.index_cast %scan3A_30 : i32 to index
        %swap3A_722 = arith.constant 640 : index
        %swap3A_723 = tpu.vector_load %arg7[%swap3A_721, %swap3A_722] {strides = array<i32>} : memref<32x1024xf32, #tpu.memory_space<vmem>>, vector<1x16xf32>,
        %swap3A_724 = vector.shape_cast %swap3A_723 : vector<1x16xf32> to vector<16xf32>
        %swap3A_725 = vector.shape_cast %add3A_720 : vector<16xf32> to vector<1x16xf32>
        tpu.vector_store %arg7[%swap3A_721, %swap3A_722], %swap3A_725 {strides = array<i32>} : memref<32x1024xf32, #tpu.memory_space<vmem>>, vector<1x16xf32>,
        %get3A_726 = arith.index_cast %scan3A_30 : i32 to index
        %get3A_727 = arith.constant 656 : index
        %get3A_728 = tpu.vector_load %arg7[%get3A_726, %get3A_727] {strides = array<i32>} : memref<32x1024xf32, #tpu.memory_space<vmem>>, vector<1x16xf32>,
        %get3A_729 = vector.shape_cast %get3A_728 : vector<1x16xf32> to vector<16xf32>
        %mul3A_730 = arith.constant 3.200000e+01 : f32
        %mul3A_731 = vector.broadcast %mul3A_730 : f32 to vector<16xf32>
        %mul3A_732 = arith.mulf %get3A_729, %mul3A_731 : vector<16xf32>
        %get3A_733 = arith.index_cast %scan3A_30 : i32 to index
        %get3A_734 = arith.constant 656 : index
        %get3A_735 = tpu.vector_load %arg8[%get3A_733, %get3A_734] {strides = array<i32>} : memref<32x1024xf32, #tpu.memory_space<vmem>>, vector<1x16xf32>,
        %get3A_736 = vector.shape_cast %get3A_735 : vector<1x16xf32> to vector<16xf32>
        %add3A_737 = arith.addf %mul3A_732, %get3A_736 : vector<16xf32>
        %swap3A_738 = arith.index_cast %scan3A_30 : i32 to index
        %swap3A_739 = arith.constant 656 : index
        %swap3A_740 = tpu.vector_load %arg7[%swap3A_738, %swap3A_739] {strides = array<i32>} : memref<32x1024xf32, #tpu.memory_space<vmem>>, vector<1x16xf32>,
        %swap3A_741 = vector.shape_cast %swap3A_740 : vector<1x16xf32> to vector<16xf32>
        %swap3A_742 = vector.shape_cast %add3A_737 : vector<16xf32> to vector<1x16xf32>
        tpu.vector_store %arg7[%swap3A_738, %swap3A_739], %swap3A_742 {strides = array<i32>} : memref<32x1024xf32, #tpu.memory_space<vmem>>, vector<1x16xf32>,
        %get3A_743 = arith.index_cast %scan3A_30 : i32 to index
        %get3A_744 = arith.constant 672 : index
        %get3A_745 = tpu.vector_load %arg7[%get3A_743, %get3A_744] {strides = array<i32>} : memref<32x1024xf32, #tpu.memory_space<vmem>>, vector<1x16xf32>,
        %get3A_746 = vector.shape_cast %get3A_745 : vector<1x16xf32> to vector<16xf32>
        %mul3A_747 = arith.constant 3.200000e+01 : f32
        %mul3A_748 = vector.broadcast %mul3A_747 : f32 to vector<16xf32>
        %mul3A_749 = arith.mulf %get3A_746, %mul3A_748 : vector<16xf32>
        %get3A_750 = arith.index_cast %scan3A_30 : i32 to index
        %get3A_751 = arith.constant 672 : index
        %get3A_752 = tpu.vector_load %arg8[%get3A_750, %get3A_751] {strides = array<i32>} : memref<32x1024xf32, #tpu.memory_space<vmem>>, vector<1x16xf32>,
        %get3A_753 = vector.shape_cast %get3A_752 : vector<1x16xf32> to vector<16xf32>
        %add3A_754 = arith.addf %mul3A_749, %get3A_753 : vector<16xf32>
        %swap3A_755 = arith.index_cast %scan3A_30 : i32 to index
        %swap3A_756 = arith.constant 672 : index
        %swap3A_757 = tpu.vector_load %arg7[%swap3A_755, %swap3A_756] {strides = array<i32>} : memref<32x1024xf32, #tpu.memory_space<vmem>>, vector<1x16xf32>,
        %swap3A_758 = vector.shape_cast %swap3A_757 : vector<1x16xf32> to vector<16xf32>
        %swap3A_759 = vector.shape_cast %add3A_754 : vector<16xf32> to vector<1x16xf32>
        tpu.vector_store %arg7[%swap3A_755, %swap3A_756], %swap3A_759 {strides = array<i32>} : memref<32x1024xf32, #tpu.memory_space<vmem>>, vector<1x16xf32>,
        %get3A_760 = arith.index_cast %scan3A_30 : i32 to index
        %get3A_761 = arith.constant 688 : index
        %get3A_762 = tpu.vector_load %arg7[%get3A_760, %get3A_761] {strides = array<i32>} : memref<32x1024xf32, #tpu.memory_space<vmem>>, vector<1x16xf32>,
        %get3A_763 = vector.shape_cast %get3A_762 : vector<1x16xf32> to vector<16xf32>
        %mul3A_764 = arith.constant 3.200000e+01 : f32
        %mul3A_765 = vector.broadcast %mul3A_764 : f32 to vector<16xf32>
        %mul3A_766 = arith.mulf %get3A_763, %mul3A_765 : vector<16xf32>
        %get3A_767 = arith.index_cast %scan3A_30 : i32 to index
        %get3A_768 = arith.constant 688 : index
        %get3A_769 = tpu.vector_load %arg8[%get3A_767, %get3A_768] {strides = array<i32>} : memref<32x1024xf32, #tpu.memory_space<vmem>>, vector<1x16xf32>,
        %get3A_770 = vector.shape_cast %get3A_769 : vector<1x16xf32> to vector<16xf32>
        %add3A_771 = arith.addf %mul3A_766, %get3A_770 : vector<16xf32>
        %swap3A_772 = arith.index_cast %scan3A_30 : i32 to index
        %swap3A_773 = arith.constant 688 : index
        %swap3A_774 = tpu.vector_load %arg7[%swap3A_772, %swap3A_773] {strides = array<i32>} : memref<32x1024xf32, #tpu.memory_space<vmem>>, vector<1x16xf32>,
        %swap3A_775 = vector.shape_cast %swap3A_774 : vector<1x16xf32> to vector<16xf32>
        %swap3A_776 = vector.shape_cast %add3A_771 : vector<16xf32> to vector<1x16xf32>
        tpu.vector_store %arg7[%swap3A_772, %swap3A_773], %swap3A_776 {strides = array<i32>} : memref<32x1024xf32, #tpu.memory_space<vmem>>, vector<1x16xf32>,
        %get3A_777 = arith.index_cast %scan3A_30 : i32 to index
        %get3A_778 = arith.constant 704 : index
        %get3A_779 = tpu.vector_load %arg7[%get3A_777, %get3A_778] {strides = array<i32>} : memref<32x1024xf32, #tpu.memory_space<vmem>>, vector<1x16xf32>,
        %get3A_780 = vector.shape_cast %get3A_779 : vector<1x16xf32> to vector<16xf32>
        %mul3A_781 = arith.constant 3.200000e+01 : f32
        %mul3A_782 = vector.broadcast %mul3A_781 : f32 to vector<16xf32>
        %mul3A_783 = arith.mulf %get3A_780, %mul3A_782 : vector<16xf32>
        %get3A_784 = arith.index_cast %scan3A_30 : i32 to index
        %get3A_785 = arith.constant 704 : index
        %get3A_786 = tpu.vector_load %arg8[%get3A_784, %get3A_785] {strides = array<i32>} : memref<32x1024xf32, #tpu.memory_space<vmem>>, vector<1x16xf32>,
        %get3A_787 = vector.shape_cast %get3A_786 : vector<1x16xf32> to vector<16xf32>
        %add3A_788 = arith.addf %mul3A_783, %get3A_787 : vector<16xf32>
        %swap3A_789 = arith.index_cast %scan3A_30 : i32 to index
        %swap3A_790 = arith.constant 704 : index
        %swap3A_791 = tpu.vector_load %arg7[%swap3A_789, %swap3A_790] {strides = array<i32>} : memref<32x1024xf32, #tpu.memory_space<vmem>>, vector<1x16xf32>,
        %swap3A_792 = vector.shape_cast %swap3A_791 : vector<1x16xf32> to vector<16xf32>
        %swap3A_793 = vector.shape_cast %add3A_788 : vector<16xf32> to vector<1x16xf32>
        tpu.vector_store %arg7[%swap3A_789, %swap3A_790], %swap3A_793 {strides = array<i32>} : memref<32x1024xf32, #tpu.memory_space<vmem>>, vector<1x16xf32>,
        %get3A_794 = arith.index_cast %scan3A_30 : i32 to index
        %get3A_795 = arith.constant 720 : index
        %get3A_796 = tpu.vector_load %arg7[%get3A_794, %get3A_795] {strides = array<i32>} : memref<32x1024xf32, #tpu.memory_space<vmem>>, vector<1x16xf32>,
        %get3A_797 = vector.shape_cast %get3A_796 : vector<1x16xf32> to vector<16xf32>
        %mul3A_798 = arith.constant 3.200000e+01 : f32
        %mul3A_799 = vector.broadcast %mul3A_798 : f32 to vector<16xf32>
        %mul3A_800 = arith.mulf %get3A_797, %mul3A_799 : vector<16xf32>
        %get3A_801 = arith.index_cast %scan3A_30 : i32 to index
        %get3A_802 = arith.constant 720 : index
        %get3A_803 = tpu.vector_load %arg8[%get3A_801, %get3A_802] {strides = array<i32>} : memref<32x1024xf32, #tpu.memory_space<vmem>>, vector<1x16xf32>,
        %get3A_804 = vector.shape_cast %get3A_803 : vector<1x16xf32> to vector<16xf32>
        %add3A_805 = arith.addf %mul3A_800, %get3A_804 : vector<16xf32>
        %swap3A_806 = arith.index_cast %scan3A_30 : i32 to index
        %swap3A_807 = arith.constant 720 : index
        %swap3A_808 = tpu.vector_load %arg7[%swap3A_806, %swap3A_807] {strides = array<i32>} : memref<32x1024xf32, #tpu.memory_space<vmem>>, vector<1x16xf32>,
        %swap3A_809 = vector.shape_cast %swap3A_808 : vector<1x16xf32> to vector<16xf32>
        %swap3A_810 = vector.shape_cast %add3A_805 : vector<16xf32> to vector<1x16xf32>
        tpu.vector_store %arg7[%swap3A_806, %swap3A_807], %swap3A_810 {strides = array<i32>} : memref<32x1024xf32, #tpu.memory_space<vmem>>, vector<1x16xf32>,
        %get3A_811 = arith.index_cast %scan3A_30 : i32 to index
        %get3A_812 = arith.constant 736 : index
        %get3A_813 = tpu.vector_load %arg7[%get3A_811, %get3A_812] {strides = array<i32>} : memref<32x1024xf32, #tpu.memory_space<vmem>>, vector<1x16xf32>,
        %get3A_814 = vector.shape_cast %get3A_813 : vector<1x16xf32> to vector<16xf32>
        %mul3A_815 = arith.constant 3.200000e+01 : f32
        %mul3A_816 = vector.broadcast %mul3A_815 : f32 to vector<16xf32>
        %mul3A_817 = arith.mulf %get3A_814, %mul3A_816 : vector<16xf32>
        %get3A_818 = arith.index_cast %scan3A_30 : i32 to index
        %get3A_819 = arith.constant 736 : index
        %get3A_820 = tpu.vector_load %arg8[%get3A_818, %get3A_819] {strides = array<i32>} : memref<32x1024xf32, #tpu.memory_space<vmem>>, vector<1x16xf32>,
        %get3A_821 = vector.shape_cast %get3A_820 : vector<1x16xf32> to vector<16xf32>
        %add3A_822 = arith.addf %mul3A_817, %get3A_821 : vector<16xf32>
        %swap3A_823 = arith.index_cast %scan3A_30 : i32 to index
        %swap3A_824 = arith.constant 736 : index
        %swap3A_825 = tpu.vector_load %arg7[%swap3A_823, %swap3A_824] {strides = array<i32>} : memref<32x1024xf32, #tpu.memory_space<vmem>>, vector<1x16xf32>,
        %swap3A_826 = vector.shape_cast %swap3A_825 : vector<1x16xf32> to vector<16xf32>
        %swap3A_827 = vector.shape_cast %add3A_822 : vector<16xf32> to vector<1x16xf32>
        tpu.vector_store %arg7[%swap3A_823, %swap3A_824], %swap3A_827 {strides = array<i32>} : memref<32x1024xf32, #tpu.memory_space<vmem>>, vector<1x16xf32>,
        %get3A_828 = arith.index_cast %scan3A_30 : i32 to index
        %get3A_829 = arith.constant 752 : index
        %get3A_830 = tpu.vector_load %arg7[%get3A_828, %get3A_829] {strides = array<i32>} : memref<32x1024xf32, #tpu.memory_space<vmem>>, vector<1x16xf32>,
        %get3A_831 = vector.shape_cast %get3A_830 : vector<1x16xf32> to vector<16xf32>
        %mul3A_832 = arith.constant 3.200000e+01 : f32
        %mul3A_833 = vector.broadcast %mul3A_832 : f32 to vector<16xf32>
        %mul3A_834 = arith.mulf %get3A_831, %mul3A_833 : vector<16xf32>
        %get3A_835 = arith.index_cast %scan3A_30 : i32 to index
        %get3A_836 = arith.constant 752 : index
        %get3A_837 = tpu.vector_load %arg8[%get3A_835, %get3A_836] {strides = array<i32>} : memref<32x1024xf32, #tpu.memory_space<vmem>>, vector<1x16xf32>,
        %get3A_838 = vector.shape_cast %get3A_837 : vector<1x16xf32> to vector<16xf32>
        %add3A_839 = arith.addf %mul3A_834, %get3A_838 : vector<16xf32>
        %swap3A_840 = arith.index_cast %scan3A_30 : i32 to index
        %swap3A_841 = arith.constant 752 : index
        %swap3A_842 = tpu.vector_load %arg7[%swap3A_840, %swap3A_841] {strides = array<i32>} : memref<32x1024xf32, #tpu.memory_space<vmem>>, vector<1x16xf32>,
        %swap3A_843 = vector.shape_cast %swap3A_842 : vector<1x16xf32> to vector<16xf32>
        %swap3A_844 = vector.shape_cast %add3A_839 : vector<16xf32> to vector<1x16xf32>
        tpu.vector_store %arg7[%swap3A_840, %swap3A_841], %swap3A_844 {strides = array<i32>} : memref<32x1024xf32, #tpu.memory_space<vmem>>, vector<1x16xf32>,
        %get3A_845 = arith.index_cast %scan3A_30 : i32 to index
        %get3A_846 = arith.constant 768 : index
        %get3A_847 = tpu.vector_load %arg7[%get3A_845, %get3A_846] {strides = array<i32>} : memref<32x1024xf32, #tpu.memory_space<vmem>>, vector<1x16xf32>,
        %get3A_848 = vector.shape_cast %get3A_847 : vector<1x16xf32> to vector<16xf32>
        %mul3A_849 = arith.constant 3.200000e+01 : f32
        %mul3A_850 = vector.broadcast %mul3A_849 : f32 to vector<16xf32>
        %mul3A_851 = arith.mulf %get3A_848, %mul3A_850 : vector<16xf32>
        %get3A_852 = arith.index_cast %scan3A_30 : i32 to index
        %get3A_853 = arith.constant 768 : index
        %get3A_854 = tpu.vector_load %arg8[%get3A_852, %get3A_853] {strides = array<i32>} : memref<32x1024xf32, #tpu.memory_space<vmem>>, vector<1x16xf32>,
        %get3A_855 = vector.shape_cast %get3A_854 : vector<1x16xf32> to vector<16xf32>
        %add3A_856 = arith.addf %mul3A_851, %get3A_855 : vector<16xf32>
        %swap3A_857 = arith.index_cast %scan3A_30 : i32 to index
        %swap3A_858 = arith.constant 768 : index
        %swap3A_859 = tpu.vector_load %arg7[%swap3A_857, %swap3A_858] {strides = array<i32>} : memref<32x1024xf32, #tpu.memory_space<vmem>>, vector<1x16xf32>,
        %swap3A_860 = vector.shape_cast %swap3A_859 : vector<1x16xf32> to vector<16xf32>
        %swap3A_861 = vector.shape_cast %add3A_856 : vector<16xf32> to vector<1x16xf32>
        tpu.vector_store %arg7[%swap3A_857, %swap3A_858], %swap3A_861 {strides = array<i32>} : memref<32x1024xf32, #tpu.memory_space<vmem>>, vector<1x16xf32>,
        %get3A_862 = arith.index_cast %scan3A_30 : i32 to index
        %get3A_863 = arith.constant 784 : index
        %get3A_864 = tpu.vector_load %arg7[%get3A_862, %get3A_863] {strides = array<i32>} : memref<32x1024xf32, #tpu.memory_space<vmem>>, vector<1x16xf32>,
        %get3A_865 = vector.shape_cast %get3A_864 : vector<1x16xf32> to vector<16xf32>
        %mul3A_866 = arith.constant 3.200000e+01 : f32
        %mul3A_867 = vector.broadcast %mul3A_866 : f32 to vector<16xf32>
        %mul3A_868 = arith.mulf %get3A_865, %mul3A_867 : vector<16xf32>
        %get3A_869 = arith.index_cast %scan3A_30 : i32 to index
        %get3A_870 = arith.constant 784 : index
        %get3A_871 = tpu.vector_load %arg8[%get3A_869, %get3A_870] {strides = array<i32>} : memref<32x1024xf32, #tpu.memory_space<vmem>>, vector<1x16xf32>,
        %get3A_872 = vector.shape_cast %get3A_871 : vector<1x16xf32> to vector<16xf32>
        %add3A_873 = arith.addf %mul3A_868, %get3A_872 : vector<16xf32>
        %swap3A_874 = arith.index_cast %scan3A_30 : i32 to index
        %swap3A_875 = arith.constant 784 : index
        %swap3A_876 = tpu.vector_load %arg7[%swap3A_874, %swap3A_875] {strides = array<i32>} : memref<32x1024xf32, #tpu.memory_space<vmem>>, vector<1x16xf32>,
        %swap3A_877 = vector.shape_cast %swap3A_876 : vector<1x16xf32> to vector<16xf32>
        %swap3A_878 = vector.shape_cast %add3A_873 : vector<16xf32> to vector<1x16xf32>
        tpu.vector_store %arg7[%swap3A_874, %swap3A_875], %swap3A_878 {strides = array<i32>} : memref<32x1024xf32, #tpu.memory_space<vmem>>, vector<1x16xf32>,
        %get3A_879 = arith.index_cast %scan3A_30 : i32 to index
        %get3A_880 = arith.constant 800 : index
        %get3A_881 = tpu.vector_load %arg7[%get3A_879, %get3A_880] {strides = array<i32>} : memref<32x1024xf32, #tpu.memory_space<vmem>>, vector<1x16xf32>,
        %get3A_882 = vector.shape_cast %get3A_881 : vector<1x16xf32> to vector<16xf32>
        %mul3A_883 = arith.constant 3.200000e+01 : f32
        %mul3A_884 = vector.broadcast %mul3A_883 : f32 to vector<16xf32>
        %mul3A_885 = arith.mulf %get3A_882, %mul3A_884 : vector<16xf32>
        %get3A_886 = arith.index_cast %scan3A_30 : i32 to index
        %get3A_887 = arith.constant 800 : index
        %get3A_888 = tpu.vector_load %arg8[%get3A_886, %get3A_887] {strides = array<i32>} : memref<32x1024xf32, #tpu.memory_space<vmem>>, vector<1x16xf32>,
        %get3A_889 = vector.shape_cast %get3A_888 : vector<1x16xf32> to vector<16xf32>
        %add3A_890 = arith.addf %mul3A_885, %get3A_889 : vector<16xf32>
        %swap3A_891 = arith.index_cast %scan3A_30 : i32 to index
        %swap3A_892 = arith.constant 800 : index
        %swap3A_893 = tpu.vector_load %arg7[%swap3A_891, %swap3A_892] {strides = array<i32>} : memref<32x1024xf32, #tpu.memory_space<vmem>>, vector<1x16xf32>,
        %swap3A_894 = vector.shape_cast %swap3A_893 : vector<1x16xf32> to vector<16xf32>
        %swap3A_895 = vector.shape_cast %add3A_890 : vector<16xf32> to vector<1x16xf32>
        tpu.vector_store %arg7[%swap3A_891, %swap3A_892], %swap3A_895 {strides = array<i32>} : memref<32x1024xf32, #tpu.memory_space<vmem>>, vector<1x16xf32>,
        %get3A_896 = arith.index_cast %scan3A_30 : i32 to index
        %get3A_897 = arith.constant 816 : index
        %get3A_898 = tpu.vector_load %arg7[%get3A_896, %get3A_897] {strides = array<i32>} : memref<32x1024xf32, #tpu.memory_space<vmem>>, vector<1x16xf32>,
        %get3A_899 = vector.shape_cast %get3A_898 : vector<1x16xf32> to vector<16xf32>
        %mul3A_900 = arith.constant 3.200000e+01 : f32
        %mul3A_901 = vector.broadcast %mul3A_900 : f32 to vector<16xf32>
        %mul3A_902 = arith.mulf %get3A_899, %mul3A_901 : vector<16xf32>
        %get3A_903 = arith.index_cast %scan3A_30 : i32 to index
        %get3A_904 = arith.constant 816 : index
        %get3A_905 = tpu.vector_load %arg8[%get3A_903, %get3A_904] {strides = array<i32>} : memref<32x1024xf32, #tpu.memory_space<vmem>>, vector<1x16xf32>,
        %get3A_906 = vector.shape_cast %get3A_905 : vector<1x16xf32> to vector<16xf32>
        %add3A_907 = arith.addf %mul3A_902, %get3A_906 : vector<16xf32>
        %swap3A_908 = arith.index_cast %scan3A_30 : i32 to index
        %swap3A_909 = arith.constant 816 : index
        %swap3A_910 = tpu.vector_load %arg7[%swap3A_908, %swap3A_909] {strides = array<i32>} : memref<32x1024xf32, #tpu.memory_space<vmem>>, vector<1x16xf32>,
        %swap3A_911 = vector.shape_cast %swap3A_910 : vector<1x16xf32> to vector<16xf32>
        %swap3A_912 = vector.shape_cast %add3A_907 : vector<16xf32> to vector<1x16xf32>
        tpu.vector_store %arg7[%swap3A_908, %swap3A_909], %swap3A_912 {strides = array<i32>} : memref<32x1024xf32, #tpu.memory_space<vmem>>, vector<1x16xf32>,
        %get3A_913 = arith.index_cast %scan3A_30 : i32 to index
        %get3A_914 = arith.constant 832 : index
        %get3A_915 = tpu.vector_load %arg7[%get3A_913, %get3A_914] {strides = array<i32>} : memref<32x1024xf32, #tpu.memory_space<vmem>>, vector<1x16xf32>,
        %get3A_916 = vector.shape_cast %get3A_915 : vector<1x16xf32> to vector<16xf32>
        %mul3A_917 = arith.constant 3.200000e+01 : f32
        %mul3A_918 = vector.broadcast %mul3A_917 : f32 to vector<16xf32>
        %mul3A_919 = arith.mulf %get3A_916, %mul3A_918 : vector<16xf32>
        %get3A_920 = arith.index_cast %scan3A_30 : i32 to index
        %get3A_921 = arith.constant 832 : index
        %get3A_922 = tpu.vector_load %arg8[%get3A_920, %get3A_921] {strides = array<i32>} : memref<32x1024xf32, #tpu.memory_space<vmem>>, vector<1x16xf32>,
        %get3A_923 = vector.shape_cast %get3A_922 : vector<1x16xf32> to vector<16xf32>
        %add3A_924 = arith.addf %mul3A_919, %get3A_923 : vector<16xf32>
        %swap3A_925 = arith.index_cast %scan3A_30 : i32 to index
        %swap3A_926 = arith.constant 832 : index
        %swap3A_927 = tpu.vector_load %arg7[%swap3A_925, %swap3A_926] {strides = array<i32>} : memref<32x1024xf32, #tpu.memory_space<vmem>>, vector<1x16xf32>,
        %swap3A_928 = vector.shape_cast %swap3A_927 : vector<1x16xf32> to vector<16xf32>
        %swap3A_929 = vector.shape_cast %add3A_924 : vector<16xf32> to vector<1x16xf32>
        tpu.vector_store %arg7[%swap3A_925, %swap3A_926], %swap3A_929 {strides = array<i32>} : memref<32x1024xf32, #tpu.memory_space<vmem>>, vector<1x16xf32>,
        %get3A_930 = arith.index_cast %scan3A_30 : i32 to index
        %get3A_931 = arith.constant 848 : index
        %get3A_932 = tpu.vector_load %arg7[%get3A_930, %get3A_931] {strides = array<i32>} : memref<32x1024xf32, #tpu.memory_space<vmem>>, vector<1x16xf32>,
        %get3A_933 = vector.shape_cast %get3A_932 : vector<1x16xf32> to vector<16xf32>
        %mul3A_934 = arith.constant 3.200000e+01 : f32
        %mul3A_935 = vector.broadcast %mul3A_934 : f32 to vector<16xf32>
        %mul3A_936 = arith.mulf %get3A_933, %mul3A_935 : vector<16xf32>
        %get3A_937 = arith.index_cast %scan3A_30 : i32 to index
        %get3A_938 = arith.constant 848 : index
        %get3A_939 = tpu.vector_load %arg8[%get3A_937, %get3A_938] {strides = array<i32>} : memref<32x1024xf32, #tpu.memory_space<vmem>>, vector<1x16xf32>,
        %get3A_940 = vector.shape_cast %get3A_939 : vector<1x16xf32> to vector<16xf32>
        %add3A_941 = arith.addf %mul3A_936, %get3A_940 : vector<16xf32>
        %swap3A_942 = arith.index_cast %scan3A_30 : i32 to index
        %swap3A_943 = arith.constant 848 : index
        %swap3A_944 = tpu.vector_load %arg7[%swap3A_942, %swap3A_943] {strides = array<i32>} : memref<32x1024xf32, #tpu.memory_space<vmem>>, vector<1x16xf32>,
        %swap3A_945 = vector.shape_cast %swap3A_944 : vector<1x16xf32> to vector<16xf32>
        %swap3A_946 = vector.shape_cast %add3A_941 : vector<16xf32> to vector<1x16xf32>
        tpu.vector_store %arg7[%swap3A_942, %swap3A_943], %swap3A_946 {strides = array<i32>} : memref<32x1024xf32, #tpu.memory_space<vmem>>, vector<1x16xf32>,
        %get3A_947 = arith.index_cast %scan3A_30 : i32 to index
        %get3A_948 = arith.constant 864 : index
        %get3A_949 = tpu.vector_load %arg7[%get3A_947, %get3A_948] {strides = array<i32>} : memref<32x1024xf32, #tpu.memory_space<vmem>>, vector<1x16xf32>,
        %get3A_950 = vector.shape_cast %get3A_949 : vector<1x16xf32> to vector<16xf32>
        %mul3A_951 = arith.constant 3.200000e+01 : f32
        %mul3A_952 = vector.broadcast %mul3A_951 : f32 to vector<16xf32>
        %mul3A_953 = arith.mulf %get3A_950, %mul3A_952 : vector<16xf32>
        %get3A_954 = arith.index_cast %scan3A_30 : i32 to index
        %get3A_955 = arith.constant 864 : index
        %get3A_956 = tpu.vector_load %arg8[%get3A_954, %get3A_955] {strides = array<i32>} : memref<32x1024xf32, #tpu.memory_space<vmem>>, vector<1x16xf32>,
        %get3A_957 = vector.shape_cast %get3A_956 : vector<1x16xf32> to vector<16xf32>
        %add3A_958 = arith.addf %mul3A_953, %get3A_957 : vector<16xf32>
        %swap3A_959 = arith.index_cast %scan3A_30 : i32 to index
        %swap3A_960 = arith.constant 864 : index
        %swap3A_961 = tpu.vector_load %arg7[%swap3A_959, %swap3A_960] {strides = array<i32>} : memref<32x1024xf32, #tpu.memory_space<vmem>>, vector<1x16xf32>,
        %swap3A_962 = vector.shape_cast %swap3A_961 : vector<1x16xf32> to vector<16xf32>
        %swap3A_963 = vector.shape_cast %add3A_958 : vector<16xf32> to vector<1x16xf32>
        tpu.vector_store %arg7[%swap3A_959, %swap3A_960], %swap3A_963 {strides = array<i32>} : memref<32x1024xf32, #tpu.memory_space<vmem>>, vector<1x16xf32>,
        %get3A_964 = arith.index_cast %scan3A_30 : i32 to index
        %get3A_965 = arith.constant 880 : index
        %get3A_966 = tpu.vector_load %arg7[%get3A_964, %get3A_965] {strides = array<i32>} : memref<32x1024xf32, #tpu.memory_space<vmem>>, vector<1x16xf32>,
        %get3A_967 = vector.shape_cast %get3A_966 : vector<1x16xf32> to vector<16xf32>
        %mul3A_968 = arith.constant 3.200000e+01 : f32
        %mul3A_969 = vector.broadcast %mul3A_968 : f32 to vector<16xf32>
        %mul3A_970 = arith.mulf %get3A_967, %mul3A_969 : vector<16xf32>
        %get3A_971 = arith.index_cast %scan3A_30 : i32 to index
        %get3A_972 = arith.constant 880 : index
        %get3A_973 = tpu.vector_load %arg8[%get3A_971, %get3A_972] {strides = array<i32>} : memref<32x1024xf32, #tpu.memory_space<vmem>>, vector<1x16xf32>,
        %get3A_974 = vector.shape_cast %get3A_973 : vector<1x16xf32> to vector<16xf32>
        %add3A_975 = arith.addf %mul3A_970, %get3A_974 : vector<16xf32>
        %swap3A_976 = arith.index_cast %scan3A_30 : i32 to index
        %swap3A_977 = arith.constant 880 : index
        %swap3A_978 = tpu.vector_load %arg7[%swap3A_976, %swap3A_977] {strides = array<i32>} : memref<32x1024xf32, #tpu.memory_space<vmem>>, vector<1x16xf32>,
        %swap3A_979 = vector.shape_cast %swap3A_978 : vector<1x16xf32> to vector<16xf32>
        %swap3A_980 = vector.shape_cast %add3A_975 : vector<16xf32> to vector<1x16xf32>
        tpu.vector_store %arg7[%swap3A_976, %swap3A_977], %swap3A_980 {strides = array<i32>} : memref<32x1024xf32, #tpu.memory_space<vmem>>, vector<1x16xf32>,
        %get3A_981 = arith.index_cast %scan3A_30 : i32 to index
        %get3A_982 = arith.constant 896 : index
        %get3A_983 = tpu.vector_load %arg7[%get3A_981, %get3A_982] {strides = array<i32>} : memref<32x1024xf32, #tpu.memory_space<vmem>>, vector<1x16xf32>,
        %get3A_984 = vector.shape_cast %get3A_983 : vector<1x16xf32> to vector<16xf32>
        %mul3A_985 = arith.constant 3.200000e+01 : f32
        %mul3A_986 = vector.broadcast %mul3A_985 : f32 to vector<16xf32>
        %mul3A_987 = arith.mulf %get3A_984, %mul3A_986 : vector<16xf32>
        %get3A_988 = arith.index_cast %scan3A_30 : i32 to index
        %get3A_989 = arith.constant 896 : index
        %get3A_990 = tpu.vector_load %arg8[%get3A_988, %get3A_989] {strides = array<i32>} : memref<32x1024xf32, #tpu.memory_space<vmem>>, vector<1x16xf32>,
        %get3A_991 = vector.shape_cast %get3A_990 : vector<1x16xf32> to vector<16xf32>
        %add3A_992 = arith.addf %mul3A_987, %get3A_991 : vector<16xf32>
        %swap3A_993 = arith.index_cast %scan3A_30 : i32 to index
        %swap3A_994 = arith.constant 896 : index
        %swap3A_995 = tpu.vector_load %arg7[%swap3A_993, %swap3A_994] {strides = array<i32>} : memref<32x1024xf32, #tpu.memory_space<vmem>>, vector<1x16xf32>,
        %swap3A_996 = vector.shape_cast %swap3A_995 : vector<1x16xf32> to vector<16xf32>
        %swap3A_997 = vector.shape_cast %add3A_992 : vector<16xf32> to vector<1x16xf32>
        tpu.vector_store %arg7[%swap3A_993, %swap3A_994], %swap3A_997 {strides = array<i32>} : memref<32x1024xf32, #tpu.memory_space<vmem>>, vector<1x16xf32>,
        %get3A_998 = arith.index_cast %scan3A_30 : i32 to index
        %get3A_999 = arith.constant 912 : index
        %get3A_1000 = tpu.vector_load %arg7[%get3A_998, %get3A_999] {strides = array<i32>} : memref<32x1024xf32, #tpu.memory_space<vmem>>, vector<1x16xf32>,
        %get3A_1001 = vector.shape_cast %get3A_1000 : vector<1x16xf32> to vector<16xf32>
        %mul3A_1002 = arith.constant 3.200000e+01 : f32
        %mul3A_1003 = vector.broadcast %mul3A_1002 : f32 to vector<16xf32>
        %mul3A_1004 = arith.mulf %get3A_1001, %mul3A_1003 : vector<16xf32>
        %get3A_1005 = arith.index_cast %scan3A_30 : i32 to index
        %get3A_1006 = arith.constant 912 : index
        %get3A_1007 = tpu.vector_load %arg8[%get3A_1005, %get3A_1006] {strides = array<i32>} : memref<32x1024xf32, #tpu.memory_space<vmem>>, vector<1x16xf32>,
        %get3A_1008 = vector.shape_cast %get3A_1007 : vector<1x16xf32> to vector<16xf32>
        %add3A_1009 = arith.addf %mul3A_1004, %get3A_1008 : vector<16xf32>
        %swap3A_1010 = arith.index_cast %scan3A_30 : i32 to index
        %swap3A_1011 = arith.constant 912 : index
        %swap3A_1012 = tpu.vector_load %arg7[%swap3A_1010, %swap3A_1011] {strides = array<i32>} : memref<32x1024xf32, #tpu.memory_space<vmem>>, vector<1x16xf32>,
        %swap3A_1013 = vector.shape_cast %swap3A_1012 : vector<1x16xf32> to vector<16xf32>
        %swap3A_1014 = vector.shape_cast %add3A_1009 : vector<16xf32> to vector<1x16xf32>
        tpu.vector_store %arg7[%swap3A_1010, %swap3A_1011], %swap3A_1014 {strides = array<i32>} : memref<32x1024xf32, #tpu.memory_space<vmem>>, vector<1x16xf32>,
        %get3A_1015 = arith.index_cast %scan3A_30 : i32 to index
        %get3A_1016 = arith.constant 928 : index
        %get3A_1017 = tpu.vector_load %arg7[%get3A_1015, %get3A_1016] {strides = array<i32>} : memref<32x1024xf32, #tpu.memory_space<vmem>>, vector<1x16xf32>,
        %get3A_1018 = vector.shape_cast %get3A_1017 : vector<1x16xf32> to vector<16xf32>
        %mul3A_1019 = arith.constant 3.200000e+01 : f32
        %mul3A_1020 = vector.broadcast %mul3A_1019 : f32 to vector<16xf32>
        %mul3A_1021 = arith.mulf %get3A_1018, %mul3A_1020 : vector<16xf32>
        %get3A_1022 = arith.index_cast %scan3A_30 : i32 to index
        %get3A_1023 = arith.constant 928 : index
        %get3A_1024 = tpu.vector_load %arg8[%get3A_1022, %get3A_1023] {strides = array<i32>} : memref<32x1024xf32, #tpu.memory_space<vmem>>, vector<1x16xf32>,
        %get3A_1025 = vector.shape_cast %get3A_1024 : vector<1x16xf32> to vector<16xf32>
        %add3A_1026 = arith.addf %mul3A_1021, %get3A_1025 : vector<16xf32>
        %swap3A_1027 = arith.index_cast %scan3A_30 : i32 to index
        %swap3A_1028 = arith.constant 928 : index
        %swap3A_1029 = tpu.vector_load %arg7[%swap3A_1027, %swap3A_1028] {strides = array<i32>} : memref<32x1024xf32, #tpu.memory_space<vmem>>, vector<1x16xf32>,
        %swap3A_1030 = vector.shape_cast %swap3A_1029 : vector<1x16xf32> to vector<16xf32>
        %swap3A_1031 = vector.shape_cast %add3A_1026 : vector<16xf32> to vector<1x16xf32>
        tpu.vector_store %arg7[%swap3A_1027, %swap3A_1028], %swap3A_1031 {strides = array<i32>} : memref<32x1024xf32, #tpu.memory_space<vmem>>, vector<1x16xf32>,
        %get3A_1032 = arith.index_cast %scan3A_30 : i32 to index
        %get3A_1033 = arith.constant 944 : index
        %get3A_1034 = tpu.vector_load %arg7[%get3A_1032, %get3A_1033] {strides = array<i32>} : memref<32x1024xf32, #tpu.memory_space<vmem>>, vector<1x16xf32>,
        %get3A_1035 = vector.shape_cast %get3A_1034 : vector<1x16xf32> to vector<16xf32>
        %mul3A_1036 = arith.constant 3.200000e+01 : f32
        %mul3A_1037 = vector.broadcast %mul3A_1036 : f32 to vector<16xf32>
        %mul3A_1038 = arith.mulf %get3A_1035, %mul3A_1037 : vector<16xf32>
        %get3A_1039 = arith.index_cast %scan3A_30 : i32 to index
        %get3A_1040 = arith.constant 944 : index
        %get3A_1041 = tpu.vector_load %arg8[%get3A_1039, %get3A_1040] {strides = array<i32>} : memref<32x1024xf32, #tpu.memory_space<vmem>>, vector<1x16xf32>,
        %get3A_1042 = vector.shape_cast %get3A_1041 : vector<1x16xf32> to vector<16xf32>
        %add3A_1043 = arith.addf %mul3A_1038, %get3A_1042 : vector<16xf32>
        %swap3A_1044 = arith.index_cast %scan3A_30 : i32 to index
        %swap3A_1045 = arith.constant 944 : index
        %swap3A_1046 = tpu.vector_load %arg7[%swap3A_1044, %swap3A_1045] {strides = array<i32>} : memref<32x1024xf32, #tpu.memory_space<vmem>>, vector<1x16xf32>,
        %swap3A_1047 = vector.shape_cast %swap3A_1046 : vector<1x16xf32> to vector<16xf32>
        %swap3A_1048 = vector.shape_cast %add3A_1043 : vector<16xf32> to vector<1x16xf32>
        tpu.vector_store %arg7[%swap3A_1044, %swap3A_1045], %swap3A_1048 {strides = array<i32>} : memref<32x1024xf32, #tpu.memory_space<vmem>>, vector<1x16xf32>,
        %get3A_1049 = arith.index_cast %scan3A_30 : i32 to index
        %get3A_1050 = arith.constant 960 : index
        %get3A_1051 = tpu.vector_load %arg7[%get3A_1049, %get3A_1050] {strides = array<i32>} : memref<32x1024xf32, #tpu.memory_space<vmem>>, vector<1x16xf32>,
        %get3A_1052 = vector.shape_cast %get3A_1051 : vector<1x16xf32> to vector<16xf32>
        %mul3A_1053 = arith.constant 3.200000e+01 : f32
        %mul3A_1054 = vector.broadcast %mul3A_1053 : f32 to vector<16xf32>
        %mul3A_1055 = arith.mulf %get3A_1052, %mul3A_1054 : vector<16xf32>
        %get3A_1056 = arith.index_cast %scan3A_30 : i32 to index
        %get3A_1057 = arith.constant 960 : index
        %get3A_1058 = tpu.vector_load %arg8[%get3A_1056, %get3A_1057] {strides = array<i32>} : memref<32x1024xf32, #tpu.memory_space<vmem>>, vector<1x16xf32>,
        %get3A_1059 = vector.shape_cast %get3A_1058 : vector<1x16xf32> to vector<16xf32>
        %add3A_1060 = arith.addf %mul3A_1055, %get3A_1059 : vector<16xf32>
        %swap3A_1061 = arith.index_cast %scan3A_30 : i32 to index
        %swap3A_1062 = arith.constant 960 : index
        %swap3A_1063 = tpu.vector_load %arg7[%swap3A_1061, %swap3A_1062] {strides = array<i32>} : memref<32x1024xf32, #tpu.memory_space<vmem>>, vector<1x16xf32>,
        %swap3A_1064 = vector.shape_cast %swap3A_1063 : vector<1x16xf32> to vector<16xf32>
        %swap3A_1065 = vector.shape_cast %add3A_1060 : vector<16xf32> to vector<1x16xf32>
        tpu.vector_store %arg7[%swap3A_1061, %swap3A_1062], %swap3A_1065 {strides = array<i32>} : memref<32x1024xf32, #tpu.memory_space<vmem>>, vector<1x16xf32>,
        %get3A_1066 = arith.index_cast %scan3A_30 : i32 to index
        %get3A_1067 = arith.constant 976 : index
        %get3A_1068 = tpu.vector_load %arg7[%get3A_1066, %get3A_1067] {strides = array<i32>} : memref<32x1024xf32, #tpu.memory_space<vmem>>, vector<1x16xf32>,
        %get3A_1069 = vector.shape_cast %get3A_1068 : vector<1x16xf32> to vector<16xf32>
        %mul3A_1070 = arith.constant 3.200000e+01 : f32
        %mul3A_1071 = vector.broadcast %mul3A_1070 : f32 to vector<16xf32>
        %mul3A_1072 = arith.mulf %get3A_1069, %mul3A_1071 : vector<16xf32>
        %get3A_1073 = arith.index_cast %scan3A_30 : i32 to index
        %get3A_1074 = arith.constant 976 : index
        %get3A_1075 = tpu.vector_load %arg8[%get3A_1073, %get3A_1074] {strides = array<i32>} : memref<32x1024xf32, #tpu.memory_space<vmem>>, vector<1x16xf32>,
        %get3A_1076 = vector.shape_cast %get3A_1075 : vector<1x16xf32> to vector<16xf32>
        %add3A_1077 = arith.addf %mul3A_1072, %get3A_1076 : vector<16xf32>
        %swap3A_1078 = arith.index_cast %scan3A_30 : i32 to index
        %swap3A_1079 = arith.constant 976 : index
        %swap3A_1080 = tpu.vector_load %arg7[%swap3A_1078, %swap3A_1079] {strides = array<i32>} : memref<32x1024xf32, #tpu.memory_space<vmem>>, vector<1x16xf32>,
        %swap3A_1081 = vector.shape_cast %swap3A_1080 : vector<1x16xf32> to vector<16xf32>
        %swap3A_1082 = vector.shape_cast %add3A_1077 : vector<16xf32> to vector<1x16xf32>
        tpu.vector_store %arg7[%swap3A_1078, %swap3A_1079], %swap3A_1082 {strides = array<i32>} : memref<32x1024xf32, #tpu.memory_space<vmem>>, vector<1x16xf32>,
        %get3A_1083 = arith.index_cast %scan3A_30 : i32 to index
        %get3A_1084 = arith.constant 992 : index
        %get3A_1085 = tpu.vector_load %arg7[%get3A_1083, %get3A_1084] {strides = array<i32>} : memref<32x1024xf32, #tpu.memory_space<vmem>>, vector<1x16xf32>,
        %get3A_1086 = vector.shape_cast %get3A_1085 : vector<1x16xf32> to vector<16xf32>
        %mul3A_1087 = arith.constant 3.200000e+01 : f32
        %mul3A_1088 = vector.broadcast %mul3A_1087 : f32 to vector<16xf32>
        %mul3A_1089 = arith.mulf %get3A_1086, %mul3A_1088 : vector<16xf32>
        %get3A_1090 = arith.index_cast %scan3A_30 : i32 to index
        %get3A_1091 = arith.constant 992 : index
        %get3A_1092 = tpu.vector_load %arg8[%get3A_1090, %get3A_1091] {strides = array<i32>} : memref<32x1024xf32, #tpu.memory_space<vmem>>, vector<1x16xf32>,
        %get3A_1093 = vector.shape_cast %get3A_1092 : vector<1x16xf32> to vector<16xf32>
        %add3A_1094 = arith.addf %mul3A_1089, %get3A_1093 : vector<16xf32>
        %swap3A_1095 = arith.index_cast %scan3A_30 : i32 to index
        %swap3A_1096 = arith.constant 992 : index
        %swap3A_1097 = tpu.vector_load %arg7[%swap3A_1095, %swap3A_1096] {strides = array<i32>} : memref<32x1024xf32, #tpu.memory_space<vmem>>, vector<1x16xf32>,
        %swap3A_1098 = vector.shape_cast %swap3A_1097 : vector<1x16xf32> to vector<16xf32>
        %swap3A_1099 = vector.shape_cast %add3A_1094 : vector<16xf32> to vector<1x16xf32>
        tpu.vector_store %arg7[%swap3A_1095, %swap3A_1096], %swap3A_1099 {strides = array<i32>} : memref<32x1024xf32, #tpu.memory_space<vmem>>, vector<1x16xf32>,
        %get3A_1100 = arith.index_cast %scan3A_30 : i32 to index
        %get3A_1101 = arith.constant 1008 : index
        %get3A_1102 = tpu.vector_load %arg7[%get3A_1100, %get3A_1101] {strides = array<i32>} : memref<32x1024xf32, #tpu.memory_space<vmem>>, vector<1x16xf32>,
        %get3A_1103 = vector.shape_cast %get3A_1102 : vector<1x16xf32> to vector<16xf32>
        %mul3A_1104 = arith.constant 3.200000e+01 : f32
        %mul3A_1105 = vector.broadcast %mul3A_1104 : f32 to vector<16xf32>
        %mul3A_1106 = arith.mulf %get3A_1103, %mul3A_1105 : vector<16xf32>
        %get3A_1107 = arith.index_cast %scan3A_30 : i32 to index
        %get3A_1108 = arith.constant 1008 : index
        %get3A_1109 = tpu.vector_load %arg8[%get3A_1107, %get3A_1108] {strides = array<i32>} : memref<32x1024xf32, #tpu.memory_space<vmem>>, vector<1x16xf32>,
        %get3A_1110 = vector.shape_cast %get3A_1109 : vector<1x16xf32> to vector<16xf32>
        %add3A_1111 = arith.addf %mul3A_1106, %get3A_1110 : vector<16xf32>
        %swap3A_1112 = arith.index_cast %scan3A_30 : i32 to index
        %swap3A_1113 = arith.constant 1008 : index
        %swap3A_1114 = tpu.vector_load %arg7[%swap3A_1112, %swap3A_1113] {strides = array<i32>} : memref<32x1024xf32, #tpu.memory_space<vmem>>, vector<1x16xf32>,
        %swap3A_1115 = vector.shape_cast %swap3A_1114 : vector<1x16xf32> to vector<16xf32>
        %swap3A_1116 = vector.shape_cast %add3A_1111 : vector<16xf32> to vector<1x16xf32>
        tpu.vector_store %arg7[%swap3A_1112, %swap3A_1113], %swap3A_1116 {strides = array<i32>} : memref<32x1024xf32, #tpu.memory_space<vmem>>, vector<1x16xf32>,
      }
      %scan3A_26 = arith.constant 32 : i32
      %mul3A_27 = arith.constant 32 : i32
      %mul3A_28 = arith.muli %scan3A_8, %mul3A_27 : i32
      %add3A_29 = arith.addi %mul3A_2, %mul3A_28 : i32
      "tpu.region"() ({
        %run_scoped3A = tpu.sem_alloc : memref<!tpu.dma_semaphore, #tpu.memory_space<semaphore_mem>>
        %dma_start3A_30 = arith.constant 0 : i32
        %dma_start3A_31 = tpu.memref_slice %arg5[%add3A_29, %dma_start3A_30] : memref<16384x1024xf32, #tpu.memory_space<hbm>> -> memref<32x1024xf32, #tpu.memory_space<hbm>>
        %dma_start3A_32 = arith.constant 0 : i32
        %dma_start3A_33 = tpu.memref_slice %arg5[%add3A_29, %dma_start3A_32] : memref<16384x1024xf32, #tpu.memory_space<hbm>> -> memref<32x1024xf32, #tpu.memory_space<hbm>>
        tpu.enqueue_dma source(%arg7 : memref<32x1024xf32, #tpu.memory_space<vmem>>) target(%dma_start3A_33 : memref<32x1024xf32, #tpu.memory_space<hbm>>) target_semaphore(%run_scoped3A : memref<!tpu.dma_semaphore, #tpu.memory_space<semaphore_mem>>)
        %dma_wait3A_34 = arith.constant 0 : i32
        %dma_wait3A_35 = tpu.memref_slice %arg5[%add3A_29, %dma_wait3A_34] : memref<16384x1024xf32, #tpu.memory_space<hbm>> -> memref<32x1024xf32, #tpu.memory_space<hbm>>
        %dma_wait3A_36 = arith.constant 0 : i32
        %dma_wait3A_37 = tpu.memref_slice %arg5[%add3A_29, %dma_wait3A_36] : memref<16384x1024xf32, #tpu.memory_space<hbm>> -> memref<32x1024xf32, #tpu.memory_space<hbm>>
        tpu.wait_dma2 semaphore(%run_scoped3A : memref<!tpu.dma_semaphore, #tpu.memory_space<semaphore_mem>>) src(%arg7 : memref<32x1024xf32, #tpu.memory_space<vmem>>) dst(%dma_wait3A_37 : memref<32x1024xf32, #tpu.memory_space<hbm>>)
        tpu.yield
      }) : () -> ()
    }
    %scan3A_7 = arith.constant 16 : i32
    return
  }
}

</mosaic_0001>

<sc_bundles>
// kernel: kernel.3.cloned.1.call-start
scs
__scs_entry_jumppad:
0x0: {  	(pc) =	sbr.rel $0x88, $3  }
0x1: {  	(tag) =	ssettag $0x0;
	lr =	simm.s32 $0x1  }
0x2: {  	[smem:$0x3F9F] =	sst lr;
	_ =	strace $0xD0000000  }
0x3: {  	_ = 	snop  }
0x4: {  	_ = 	snop  }
0x5: {  	_ = 	snop  }
0x6: {  	_ = 	snop  }
0x7: {  	_ = 	snop  }
__scs_overlays_trampoline_lowered:
0x8: {  	[smem:$0x3FAE] =	sst s0  }
0x9: {  	[smem:$0x3FAF] =	sst s1  }
0xa: {  	[smem:$0x3FB0] =	sst s2  }
0xb: {  	[smem:$0x3FB1] =	sst s3  }
0xc: {  	[smem:$0x3FB2] =	sst s4  }
0xd: {  	[smem:$0x3FB3] =	sst s5  }
0xe: {  	[smem:$0x3FB4] =	sst s6  }
0xf: {  	[smem:$0x3FB5] =	sst s7  }
0x10: {  	[smem:$0x3FB6] =	sst s8  }
0x11: {  	[smem:$0x3FB7] =	sst s9;
	s0 =	simm.s32 @!p0 $0x0  }
0x12: {  	s1 =	sld [smem:$0x3F9D];
	s0 =	simm.s32 @p0 $0x1  }
0x13: {  	[smem:$0x3FB8] =	sst s0;
	s0 =	simm.s32 @!p1 $0x0  }
0x14: {  	s2 =	sld [smem:$0x3F9C];
	s0 =	simm.s32 @p1 $0x1  }
0x15: {  	[smem:$0x3FB9] =	sst s0;
	s0 =	simm.s32 @!p2 $0x0  }
0x16: {  	s3 =	sld [smem:$0x3FDB];
	s0 =	simm.s32 @p2 $0x1  }
0x17: {  	s4 =	simm.s32 $0x1BF5;
	[smem:$0x3FBB] =	sst s0  }
0x18: {  	s0 =	sld [smem:$0x3F9E];
	_ =	swait.ge [sflag:s4], $0x0  }
0x19: {  	s7 =	sld [smem:$0x3F9F]  }
0x1a: {  	s8 =	sadd.s32 $0xFFFFE003, lr  }
0x1b: {  	s9 =	sadd.s32 $0xFFFFFEF7, lr;
	s5 =	simm.s32 $0xFFFFFFFF;
	p2 =	slt.u32 s8, $0xFFFFF086  }
0x1c: {  	p1 =	slt.u32 s9, $0xF7A;
	s5 =	simm.s32 @!p2 $0x0  }
0x1d: {  	s5 =	simm.s32 @p1 $0x1;
	p0 =	seq.s32 s7, s2  }
0x1e: {  	s7 =	smul.u32 @!p0 $0xF7A, s2;
	p2 =	seq.s32 @!p0 s5, $0x0  }
0x1f: {  	s9 =	smul.u32 $0xF7A, s1;
	s8 =	simm.s32 @!p0 $0x1BF5;
	p2 =	por !p2, p0  }
0x20: {  	[sflag:s8] =	ssyncset.s32 @!p0 $0xFFFFF086;
	s6 =	sadd.s32 @!p0 s3, s7;
	s7 =	simm.s32 @!p0 $0x108  }
0x21: {  	s3 =	sadd.s32 s3, s9;
	s6 =	sadd.s32 @!p0 $0x88, s6;
	s7 =	simm.s32 @p2 $0x1082  }
0x22: {  	[simem:s7], [sflag:s8] =	dma.local @!p0 [hbm:s6], $0xF7A  }
0x23: {  	s9 =	sor.u32 $0xD0000000, s2;
	s6 =	simm.s32 $0x108;
	_ =	swait.ge @!p0 [sflag:s8], $0x0  }
0x24: {  	s3 =	sadd.s32 $0x88, s3;
	s6 =	simm.s32 @!p1 $0x1082;
	[sflag:s4] =	ssyncset.s32 $0xFFFFF086  }
0x25: {  	[simem:s6], [sflag:s4] =	dma.local [hbm:s3], $0xF7A  }
0x26: {  	[smem:$0x3F9F] =	sst s1;
	(tag) =	ssettag s2;
	_ =	strace s9  }
0x27: {  	s1 =	sld [smem:$0x3FAF]  }
0x28: {  	s2 =	sld [smem:$0x3FB0]  }
0x29: {  	s4 =	sld [smem:$0x3FB2]  }
0x2a: {  	p0 =	seq.s32 s5, $0x0;
	s5 =	sld [smem:$0x3FB3]  }
0x2b: {  	s6 =	sld [smem:$0x3FB4]  }
0x2c: {  	s7 =	sld [smem:$0x3FB5]  }
0x2d: {  	s3 =	simm.s32 $0x108;
	s8 =	sld [smem:$0x3FB6]  }
0x2e: {  	s3 =	simm.s32 @!p0 $0x1082;
	s9 =	sld [smem:$0x3FB7]  }
0x2f: {  	lr =	sadd.s32 s0, s3;
	s0 =	sld [smem:$0x3FAE]  }
0x30: {  	s3 =	sld [smem:$0x3FB1]  }
0x31: {  	[smem:$0x3FBA] =	sst s10  }
0x32: {  	s10 =	sld [smem:$0x3FB8];
	_ =	sdelay $0x3  }
0x33: {  	p0 =	seq.s32 s10, $0x1;
	s10 =	sld [smem:$0x3FBA];
	_ =	sdelay $0x3  }
0x34: {  	[smem:$0x3FBA] =	sst s10  }
0x35: {  	s10 =	sld [smem:$0x3FB9];
	_ =	sdelay $0x3  }
0x36: {  	p1 =	seq.s32 s10, $0x1;
	s10 =	sld [smem:$0x3FBA];
	_ =	sdelay $0x3  }
0x37: {  	[smem:$0x3FBA] =	sst s10  }
0x38: {  	s10 =	sld [smem:$0x3FBB]  }
0x39: {  	_ = 	snop;
	(pc) =	sbr.ind lr, $3  }
0x3a: {  	_ = 	snop  }
0x3b: {  	_ = 	snop  }
0x3c: {  	p2 =	seq.s32 s10, $0x1;
	s10 =	sld [smem:$0x3FBA]  }
0x3d: {  	_ =	shalt  }
0x3e: {  	_ =	shalt  }
0x3f: {  	_ =	shalt  }
0x40: {  	_ =	shalt  }
0x41: {  	_ =	shalt  }
0x42: {  	_ =	shalt  }
0x43: {  	_ =	shalt  }
0x44: {  	_ =	shalt  }
0x45: {  	_ =	shalt  }
0x46: {  	_ =	shalt  }
0x47: {  	_ =	shalt  }
0x48: {  	_ =	shalt  }
0x49: {  	_ =	shalt  }
0x4a: {  	_ =	shalt  }
0x4b: {  	_ =	shalt  }
0x4c: {  	_ =	shalt  }
0x4d: {  	_ =	shalt  }
0x4e: {  	_ =	shalt  }
0x4f: {  	_ =	shalt  }
0x50: {  	_ =	shalt  }
0x51: {  	_ =	shalt  }
0x52: {  	_ =	shalt  }
0x53: {  	_ =	shalt  }
0x54: {  	_ =	shalt  }
0x55: {  	_ =	shalt  }
0x56: {  	_ =	shalt  }
0x57: {  	_ =	shalt  }
0x58: {  	_ =	shalt  }
0x59: {  	_ =	shalt  }
0x5a: {  	_ =	shalt  }
0x5b: {  	_ =	shalt  }
0x5c: {  	_ =	shalt  }
0x5d: {  	_ =	shalt  }
0x5e: {  	_ =	shalt  }
0x5f: {  	_ =	shalt  }
0x60: {  	_ =	shalt  }
0x61: {  	_ =	shalt  }
0x62: {  	_ =	shalt  }
0x63: {  	_ =	shalt  }
0x64: {  	_ =	shalt  }
0x65: {  	_ =	shalt  }
0x66: {  	_ =	shalt  }
0x67: {  	_ =	shalt  }
0x68: {  	_ =	shalt  }
0x69: {  	_ =	shalt  }
0x6a: {  	_ =	shalt  }
0x6b: {  	_ =	shalt  }
0x6c: {  	_ =	shalt  }
0x6d: {  	_ =	shalt  }
0x6e: {  	_ =	shalt  }
0x6f: {  	_ =	shalt  }
0x70: {  	_ =	shalt  }
0x71: {  	_ =	shalt  }
0x72: {  	_ =	shalt  }
0x73: {  	_ =	shalt  }
0x74: {  	_ =	shalt  }
0x75: {  	_ =	shalt  }
0x76: {  	_ =	shalt  }
0x77: {  	_ =	shalt  }
0x78: {  	_ =	shalt  }
0x79: {  	_ =	shalt  }
0x7a: {  	_ =	shalt  }
0x7b: {  	_ =	shalt  }
0x7c: {  	_ =	shalt  }
0x7d: {  	_ =	shalt  }
0x7e: {  	_ =	shalt  }
0x7f: {  	_ =	shalt  }
0x80: {  	_ =	shalt  }
0x81: {  	_ =	shalt  }
0x82: {  	_ =	shalt  }
0x83: {  	_ =	shalt  }
0x84: {  	_ =	shalt  }
0x85: {  	_ =	shalt  }
0x86: {  	_ =	shalt  }
0x87: {  	_ =	shalt  }
.Lfunc_end0:
.L_simem_size_0:
called_computation_lowered:
.L_overlay_start_0:
0x88: {  	s2 =	sld [smem:$0x3FD9]  }
0x89: {  	s3 =	sld [smem:$0x3FFE];
	_ =	sdelay $0x1  }
0x8a: {  	s1 =	srdreg.scid  }
0x8b: {  	s0 =	sand.u32 $0x1, s1  }
0x8c: {  	s17 =	sshll.u32 s0, $0xA;
	s2 =	sadd.s32 s3, s2  }
0x8d: {  	s2 =	sadd.s32 s2, s17  }
0x8e: {  	[smem:$0x3FC6] =	sst s2  }
0x8f: {  	_ = 	snop  }
0x90: {  	s2 =	sld [smem:$0x3FC8]  }
0x91: {  	s18 =	sld [smem:$0x3FD0];
	(tm) =	ssettm $0x1  }
0x92: {  	s4 =	sld [smem:$0x3FFB];
	_ =	sdelay $0x3  }
0x93: {  	_ =	strace s4  }
0x94: {  	s4 =	sld [smem:$0x3FFC];
	_ =	sdelay $0x3  }
0x95: {  	_ =	strace s4  }
0x96: {  	s4 =	sld [smem:$0x3FFD];
	_ =	sdelay $0x3  }
0x97: {  	_ =	strace s4  }
0x98: {  	_ =	strace $0x8FFFFFFF  }
0x99: {  	s19 =	sld [smem:$0x3FDB];
	_ =	sdelay $0x1  }
0x9a: {  	s5 =	simm.s32 $_scs_section_size  }
0x9b: {  	s6 =	simm.s32 $_size__tile_overlayer_lowered;
	s7 =	simm.s32 $_tile_overlayer_lowered  }
0x9c: {  	s22 =	simm.s32 $0x1BFF;
	s21 =	sshll.u32 s7, $0x1;
	s4 =	sadd.s32 s5, s19  }
0x9d: {  	s8 =	simm.s32 $0x0;
	s20 =	sshll.u32 s6, $0x1;
	s6 =	sadd.s32 s21, s4  }
0x9e: {  	[timem:s8], [sflag:s22] =	dma.local [hbm:s6], s20  }
0x9f: {  	_ =	swait.ge [sflag:s22], s20  }
0xa0: {  	s5 =	ssub.s32 $0x0, s20;
	[sflag:s22] =	ssyncset.done $0x0  }
0xa1: {  	[sflag:s22] =	ssyncadd.s32 s5;
	_ =	sdelay $0x1  }
0xa2: {  	s23 =	simm.s32 $0x1B8B  }
0xa3: {  	_ =	swait.ge [sflag:s23], $0x1  }
0xa4: {  	[sflag:s23] =	ssyncset.done $0x0  }
0xa5: {  	s25 =	simm.s32 $0x1B8E;
	s24 =	sld [smem:$0x3FFE];
	[sflag:s23] =	ssyncadd.s32 $0xFFFFFFFF  }
0xa6: {  	s26 =	simm.s32 $execute0_lowered;
	[smem:$0x3FD2] =	sst s25  }
0xa7: {  	s6 =	sshll.u32 s26, $0x1;
	_ =	strace $0x80000046;
	[dreg:$0x1] =	wrdreg $0xFFFFFFFF  }
0xa8: {  	s28 =	simm.s32 $_size_execute0_lowered;
	s4 =	sadd.s32 s4, s6;
	[dreg:$0x0] =	wrdreg $0x0  }
0xa9: {  	s6 =	sshll.u32 s28, $0x1;
	[dreg:$0x2] =	wrdreg s4  }
0xaa: {  	[dreg:$0x3] =	wrdreg s6  }
0xab: {  	[dreg:$0x4] =	wrdreg $0xC0  }
0xac: {  	_ =	task [dreg:s8], $0x5FFFF  }
0xad: {  	[dreg:$0x1] =	wrdreg $0xFFFFFFFF  }
0xae: {  	[dreg:$0x0] =	wrdreg $0x60  }
0xaf: {  	[dreg:$0x2] =	wrdreg s2  }
0xb0: {  	[dreg:$0x3] =	wrdreg s24  }
0xb1: {  	[dreg:$0x4] =	wrdreg s18  }
0xb2: {  	[dreg:$0x5] =	wrdreg $0x9  }
0xb3: {  	_ =	task.clear_ibuf [dreg:s8], $0x6FFFF;
	_ =	strace $0x90000046  }
0xb4: {  	s29 =	simm.s32 $0x9;
	_ =	strace $0x80000048  }
0xb5: {  	_ =	swait.ge [sflag:s29], $0x1  }
0xb6: {  	[sflag:s29] =	ssyncadd.s32 $0xFFFFFFFF  }
0xb7: {  	_ =	strace $0x90000048  }
0xb8: {  	_ =	sfence  }
0xb9: {  	s30 =	sld [smem:$0x0];
	_ =	sdelay $0x2  }
0xba: {  	s31 =	sshll.u32 s1, $0xD;
	s1 =	sshrl.u32 s1, $0x2  }
0xbb: {  	s3 =	sand.u32 $0x4000, s31;
	s1 =	sadd.s32 s1, s30  }
0xbc: {  	s0 =	sor.u32 s3, s0;
	s1 =	sshll.u32 s1, $0x11  }
0xbd: {  	s0 =	sor.u32 s1, s0  }
0xbe: {  	s0 =	sadd.s32 $0x8F2B, s0  }
0xbf: {  	[sflag:s0] =	ssyncadd.remote.s32 $0x1  }
0xc0: {  	_ =	sfence.sel $0xFFFF  }
0xc1: {  	[dreg:$0x0] =	wrdreg $0xFFFFFFFF;
	(pc) =	sbr.abs _section_cstart, $3  }
0xc2: {  	[dreg:$0x1] =	wrdreg $0xFFFFFFFF  }
0xc3: {  	_ =	task.clear_ibuf [dreg:s8], $0x2FFFF;
	_ =	strace $0x9FFFFFFF  }
0xc4: {  	(tm) =	ssettm $0x7FFFFFFF  }
0xc5: {  	_ =	shalt  }
tec
execute0_lowered:
.L_overlay_start_1:
0x0: {  	(tag) =	ssettag $0x1  }
0x1: {  	s1 =	rddreg [dreg:$0x0]  }
0x2: {  	s0 =	rddreg [dreg:$0x1]  }
0x3: {  	s2 =	srdreg.scid;
	s3 =	stileid.u32;
	s4 =	simm.s32 $0x0  }
0x4: {  	s13 =	simm.s32 $0x2;
	s15 =	simm.s32 $0x800;
	s19 =	simm.s32 $0x2800  }
0x5: {  	s20 =	simm.s32 $0x3000;
	s21 =	simm.s32 $0x3800;
	s22 =	simm.s32 $0x4000  }
0x6: {  	s23 =	simm.s32 $0x4800;
	s28 =	simm.s32 $0x6800;
	s29 =	simm.s32 $0x7000  }
0x7: {  	s30 =	simm.s32 $0x7800;
	s31 =	simm.s32 $0x8000;
	s2 =	sand.u32 $0x1, s2  }
0x8: {  	s3 =	sshll.u32 s3, $0x1;
	[smem:$0x7FF] =	sst s4;
	s5 =	sadd.s32 $0x2400, s0  }
0x9: {  	s9 =	sadd.s32 $0x100, s1;
	s10 =	sadd.s32 $0x200, s1;
	s11 =	sadd.s32 $0x300, s1  }
0xa: {  	s3 =	sor.u32 s2, s3;
	_ =	strace $0x80000047;
	s2 =	ssub.s32 $0x2, s2  }
0xb: {  	s24 =	sshll.u32 s3, $0x8;
	s25 =	sshrl.u32 s2, $0x1;
	s6 =	sshll.u32 s3, $0x9  }
0xc: {  	s3 =	simm.s32 $0x0;
	s4 =	sadd.s32 s24, s0;
	s0 =	ssub.s32 s2, s25  }
0xd: {  	v2 =	vlaneseq.u32;
	s7 =	sand.u32 $0xE00, s6;
	s24 =	simm.s32 $0x5000;
	s26 =	sadd.s32 $0x400, s4  }
0xe: {  	vm0 =	vmmov $0xffff;
	v1 =	vshrl.u32 v2, $0x3;
	s25 =	simm.s32 $0x5800;
	s0 =	smax.u32 s0, $0x1;
	[dreg:$0x4] =	wrdreg s26  }
0xf: {  	v0 =	vand.u32 $0x7, v2;
	v2 =	vor.u32 $0x8, v2;
	v1 =	vmul.u32 $0x8, v1;
	s2 =	simm.s32 $0x1;
	[dreg:$0x5] =	wrdreg s0;
	s26 =	simm.s32 $0x6000  }
.LBB2_1:
0x10: {  	[dreg:$0x6] =	wrdreg s3  }
0x11: {  	s0 =	simm.s32 $0x0;
	s18 =	rddreg [dreg:$0x4]  }
0x12: {  	[tilespmem:s0], [sflag:$0x2] =	stream.linear.gather [hbm4b:s18+s0], $0x800, $0x38;
	[tilespmem:$0x10800] =	vst v63  }
0x13: {  	_ =	swait.ge [sflag:s13], $0x800  }
0x14: {  	[sflag:s13] =	ssyncset.done $0x0  }
0x15: {  	s8 =	simm.s32 $0x0;
	[sflag:s13] =	ssyncadd.s32 $0xFFFFF800  }
.LBB2_2:
0x16: {  	s12 =	sshll.u32 s8, $0x5  }
0x17: {  	s0 =	sadd.s32 s7, s12  }
0x18: {  	s0 =	sshll.u32 s0, $0x7  }
0x19: {  	s4 =	simm.s32 $0x8800;
	s3 =	sadd.s32 s5, s0;
	s0 =	simm.s32 $0x0  }
0x1a: {  	[tilespmem:s4], [sflag:$0x2] =	stream.linear.gather [hbm4b:s3+s0], $0x8000, $0x38;
	[tilespmem:$0x10800] =	vst v63  }
0x1b: {  	_ =	swait.ge [sflag:s13], $0x8000  }
0x1c: {  	s14 =	sshll.u32 s8, $0x7;
	[sflag:s13] =	ssyncset.done $0x0  }
0x1d: {  	s3 =	sand.u32 $0x3FFFFF80, s14;
	[sflag:s13] =	ssyncadd.s32 $0xFFFF8000  }
0x1e: {  	v3 =	vld [tilespmem:s3+$0x0];
	_ =	sdelay $0x4  }
0x1f: {  	v4 =	vshll.u32 v3, $0x3  }
0x20: {  	v3 =	vand.u32 $0x7, v3;
	v4 =	vand.u32 $0xFFFFFFC0, v4  }
0x21: {  	v3 =	vor.u32 v3, v4  }
0x22: {  	v4 =	vperm.xlane v3, v0;
	_ =	sdelay $0x1  }
0x23: {  	v4 =	vadd.s32 v1, v4;
	_ =	sdelay $0x4  }
0x24: {  	[tilespmem:s15], [sflag:$0x1] =	stream.indirect_vreg.gather [hbm4b:s1+s0], $0x80, v4, vm0, $0xb8;
	[tilespmem:$0x10800] =	vst v63  }
0x25: {  	s16 =	simm.s32 $0x1000;
	v3 =	vperm.xlane v3, v2  }
0x26: {  	[tilespmem:s16], [sflag:$0x1] =	stream.indirect_vreg.gather [hbm4b:s9+s0], $0x80, v4, vm0, $0xb8;
	[tilespmem:$0x10800] =	vst v63  }
0x27: {  	s17 =	simm.s32 $0x1800;
	v3 =	vadd.s32 v1, v3  }
0x28: {  	[tilespmem:s17], [sflag:$0x1] =	stream.indirect_vreg.gather [hbm4b:s10+s0], $0x80, v4, vm0, $0xb8;
	[tilespmem:$0x10800] =	vst v63  }
0x29: {  	s18 =	simm.s32 $0x2000  }
0x2a: {  	[tilespmem:s18], [sflag:$0x1] =	stream.indirect_vreg.gather [hbm4b:s11+s0], $0x80, v4, vm0, $0xb8;
	[tilespmem:$0x10800] =	vst v63  }
0x2b: {  	_ = 	snop  }
0x2c: {  	[tilespmem:s19], [sflag:$0x1] =	stream.indirect_vreg.gather [hbm4b:s1+s0], $0x80, v3, vm0, $0xb8;
	[tilespmem:$0x10800] =	vst v63  }
0x2d: {  	_ = 	snop  }
0x2e: {  	[tilespmem:s20], [sflag:$0x1] =	stream.indirect_vreg.gather [hbm4b:s9+s0], $0x80, v3, vm0, $0xb8;
	[tilespmem:$0x10800] =	vst v63  }
0x2f: {  	_ = 	snop  }
0x30: {  	[tilespmem:s21], [sflag:$0x1] =	stream.indirect_vreg.gather [hbm4b:s10+s0], $0x80, v3, vm0, $0xb8;
	[tilespmem:$0x10800] =	vst v63  }
0x31: {  	_ = 	snop  }
0x32: {  	[tilespmem:s22], [sflag:$0x1] =	stream.indirect_vreg.gather [hbm4b:s11+s0], $0x80, v3, vm0, $0xb8;
	[tilespmem:$0x10800] =	vst v63  }
0x33: {  	v3 =	vld [tilespmem:s3+$0x10];
	_ =	sdelay $0x4  }
0x34: {  	v63 =	vshll.u32 v3, $0x3  }
0x35: {  	v3 =	vand.u32 $0x7, v3;
	v4 =	vand.u32 $0xFFFFFFC0, v63  }
0x36: {  	v3 =	vor.u32 v3, v4  }
0x37: {  	v4 =	vperm.xlane v3, v0;
	_ =	sdelay $0x1  }
0x38: {  	v4 =	vadd.s32 v1, v4;
	_ =	sdelay $0x4  }
0x39: {  	[tilespmem:s23], [sflag:$0x1] =	stream.indirect_vreg.gather [hbm4b:s1+s0], $0x80, v4, vm0, $0xb8;
	[tilespmem:$0x10800] =	vst v63  }
0x3a: {  	v3 =	vperm.xlane v3, v2  }
0x3b: {  	[tilespmem:s24], [sflag:$0x1] =	stream.indirect_vreg.gather [hbm4b:s9+s0], $0x80, v4, vm0, $0xb8;
	[tilespmem:$0x10800] =	vst v63  }
0x3c: {  	v3 =	vadd.s32 v1, v3  }
0x3d: {  	[tilespmem:s25], [sflag:$0x1] =	stream.indirect_vreg.gather [hbm4b:s10+s0], $0x80, v4, vm0, $0xb8;
	[tilespmem:$0x10800] =	vst v63  }
0x3e: {  	_ = 	snop  }
0x3f: {  	[tilespmem:s26], [sflag:$0x1] =	stream.indirect_vreg.gather [hbm4b:s11+s0], $0x80, v4, vm0, $0xb8;
	[tilespmem:$0x10800] =	vst v63  }
0x40: {  	_ = 	snop  }
0x41: {  	[tilespmem:s28], [sflag:$0x1] =	stream.indirect_vreg.gather [hbm4b:s1+s0], $0x80, v3, vm0, $0xb8;
	[tilespmem:$0x10800] =	vst v63  }
0x42: {  	_ = 	snop  }
0x43: {  	[tilespmem:s29], [sflag:$0x1] =	stream.indirect_vreg.gather [hbm4b:s9+s0], $0x80, v3, vm0, $0xb8;
	[tilespmem:$0x10800] =	vst v63  }
0x44: {  	_ = 	snop  }
0x45: {  	[tilespmem:s30], [sflag:$0x1] =	stream.indirect_vreg.gather [hbm4b:s10+s0], $0x80, v3, vm0, $0xb8;
	[tilespmem:$0x10800] =	vst v63  }
0x46: {  	_ = 	snop  }
0x47: {  	[tilespmem:s31], [sflag:$0x1] =	stream.indirect_vreg.gather [hbm4b:s11+s0], $0x80, v3, vm0, $0xb8;
	[tilespmem:$0x10800] =	vst v63  }
0x48: {  	_ =	swait.ge [sflag:s2], $0x8000  }
0x49: {  	s4 =	simm.s32 $0x0;
	[sflag:s2] =	ssyncset.done $0x0  }
0x4a: {  	s14 =	simm.s32 $0x0;
	s3 =	simm.s32 $0xFFFF8000;
	[sflag:s2] =	ssyncadd.s32 $0xFFFF8000  }
.LBB2_3:
0x4b: {  	s16 =	sadd.s32 $0x8000, s3  }
0x4c: {  	s17 =	sand.u32 $0x380, s14;
	s16 =	sand.u32 $0x6000, s16  }
0x4d: {  	s16 =	sor.u32 s17, s16  }
0x4e: {  	v3 =	vld [tilespmem:s16+$0x800]  }
0x4f: {  	v4 =	vld [tilespmem:s16+$0x8800]  }
0x50: {  	v5 =	vld [tilespmem:s16+$0x810]  }
0x51: {  	v6 =	vld [tilespmem:s16+$0x8810]  }
0x52: {  	v7 =	vld [tilespmem:s16+$0x820]  }
0x53: {  	v8 =	vld [tilespmem:s16+$0x8820]  }
0x54: {  	v9 =	vld [tilespmem:s16+$0x830]  }
0x55: {  	v10 =	vld [tilespmem:s16+$0x8830]  }
0x56: {  	v11 =	vld [tilespmem:s16+$0x840]  }
0x57: {  	v12 =	vld [tilespmem:s16+$0x8840]  }
0x58: {  	v13 =	vld [tilespmem:s16+$0x850]  }
0x59: {  	v14 =	vld [tilespmem:s16+$0x8850]  }
0x5a: {  	v15 =	vld [tilespmem:s16+$0x860]  }
0x5b: {  	v16 =	vld [tilespmem:s16+$0x8860]  }
0x5c: {  	v17 =	vld [tilespmem:s16+$0x870]  }
0x5d: {  	v18 =	vld [tilespmem:s16+$0x8870]  }
0x5e: {  	v19 =	vld [tilespmem:s16+$0xC00]  }
0x5f: {  	v20 =	vld [tilespmem:s16+$0x8C00]  }
0x60: {  	v21 =	vld [tilespmem:s16+$0xC10]  }
0x61: {  	v22 =	vld [tilespmem:s16+$0x8C10]  }
0x62: {  	v23 =	vld [tilespmem:s16+$0xC20]  }
0x63: {  	v24 =	vld [tilespmem:s16+$0x8C20]  }
0x64: {  	v25 =	vld [tilespmem:s16+$0xC30]  }
0x65: {  	v26 =	vld [tilespmem:s16+$0x8C30]  }
0x66: {  	v27 =	vld [tilespmem:s16+$0xC40]  }
0x67: {  	v28 =	vld [tilespmem:s16+$0x8C40]  }
0x68: {  	v29 =	vld [tilespmem:s16+$0xC50]  }
0x69: {  	v30 =	vld [tilespmem:s16+$0x8C50]  }
0x6a: {  	v31 =	vld [tilespmem:s16+$0xC60]  }
0x6b: {  	v32 =	vld [tilespmem:s16+$0x8C60]  }
0x6c: {  	v33 =	vld [tilespmem:s16+$0xC70]  }
0x6d: {  	v34 =	vld [tilespmem:s16+$0x8C70]  }
0x6e: {  	v35 =	vld [tilespmem:s16+$0x1000]  }
0x6f: {  	v36 =	vld [tilespmem:s16+$0x9000]  }
0x70: {  	v37 =	vld [tilespmem:s16+$0x1010]  }
0x71: {  	v38 =	vld [tilespmem:s16+$0x9010]  }
0x72: {  	v39 =	vld [tilespmem:s16+$0x1020]  }
0x73: {  	v40 =	vld [tilespmem:s16+$0x9020]  }
0x74: {  	v41 =	vld [tilespmem:s16+$0x1030]  }
0x75: {  	v42 =	vld [tilespmem:s16+$0x9030]  }
0x76: {  	v43 =	vld [tilespmem:s16+$0x1040]  }
0x77: {  	v44 =	vld [tilespmem:s16+$0x9040]  }
0x78: {  	v45 =	vld [tilespmem:s16+$0x1050]  }
0x79: {  	v46 =	vld [tilespmem:s16+$0x9050]  }
0x7a: {  	v47 =	vld [tilespmem:s16+$0x1060]  }
0x7b: {  	v48 =	vld [tilespmem:s16+$0x9060]  }
0x7c: {  	v49 =	vld [tilespmem:s16+$0x1070]  }
0x7d: {  	v50 =	vld [tilespmem:s16+$0x9070]  }
0x7e: {  	v51 =	vld [tilespmem:s16+$0x1400]  }
0x7f: {  	v52 =	vld [tilespmem:s16+$0x9400]  }
0x80: {  	v53 =	vld [tilespmem:s16+$0x1410]  }
0x81: {  	v54 =	vld [tilespmem:s16+$0x9410]  }
0x82: {  	v55 =	vld [tilespmem:s16+$0x1420]  }
0x83: {  	v56 =	vld [tilespmem:s16+$0x9420]  }
0x84: {  	v57 =	vld [tilespmem:s16+$0x1430]  }
0x85: {  	v58 =	vld [tilespmem:s16+$0x9430]  }
0x86: {  	v59 =	vld [tilespmem:s16+$0x1440]  }
0x87: {  	v60 =	vld [tilespmem:s16+$0x9440]  }
0x88: {  	v61 =	vld [tilespmem:s16+$0x1450];
	v3 =	vmul.f32 $3.200000000e+01, v3  }
0x89: {  	v62 =	vld [tilespmem:s16+$0x9450];
	v5 =	vmul.f32 $3.200000000e+01, v5  }
0x8a: {  	v63 =	vld [tilespmem:s16+$0x1460];
	v3 =	vadd.f32 v4, v3;
	v4 =	vmul.f32 $3.200000000e+01, v7  }
0x8b: {  	v7 =	vld [tilespmem:s16+$0x9460];
	v5 =	vadd.f32 v6, v5;
	v6 =	vmul.f32 $3.200000000e+01, v9  }
0x8c: {  	v13 =	vmul.f32 $3.200000000e+01, v13;
	v9 =	vld [tilespmem:s16+$0x1470];
	[tilespmem:s16+$0x800] =	vst v3;
	v3 =	vadd.f32 v8, v4;
	v4 =	vmul.f32 $3.200000000e+01, v11  }
0x8d: {  	v8 =	vld [tilespmem:s16+$0x9470];
	[tilespmem:s16+$0x810] =	vst v5;
	v5 =	vadd.f32 v10, v6;
	v6 =	vmul.f32 $3.200000000e+01, v17;
	v17 =	vmul.f32 $3.200000000e+01, v19  }
0x8e: {  	v10 =	vld [tilespmem:s16+$0x1800];
	v19 =	vmul.f32 $3.200000000e+01, v21;
	v21 =	vmul.f32 $3.200000000e+01, v23  }
0x8f: {  	v11 =	vld [tilespmem:s16+$0x9800];
	v23 =	vmul.f32 $3.200000000e+01, v25;
	v25 =	vmul.f32 $3.200000000e+01, v27;
	[tilespmem:s16+$0x820] =	vst v3;
	v3 =	vadd.f32 v12, v4  }
0x90: {  	v27 =	vmul.f32 $3.200000000e+01, v29;
	v4 =	vmul.f32 $3.200000000e+01, v15;
	[tilespmem:s16+$0x830] =	vst v5;
	v5 =	vadd.f32 v14, v13;
	v12 =	vld [tilespmem:s16+$0x1810]  }
0x91: {  	v29 =	vmul.f32 $3.200000000e+01, v31;
	v31 =	vmul.f32 $3.200000000e+01, v33;
	v13 =	vld [tilespmem:s16+$0x9810];
	v18 =	vadd.f32 v18, v6;
	[tilespmem:s16+$0x840] =	vst v3  }
0x92: {  	v33 =	vmul.f32 $3.200000000e+01, v35;
	v35 =	vmul.f32 $3.200000000e+01, v37;
	v14 =	vld [tilespmem:s16+$0x1820];
	v3 =	vadd.f32 v16, v4;
	[tilespmem:s16+$0x850] =	vst v5  }
0x93: {  	v37 =	vmul.f32 $3.200000000e+01, v39;
	v39 =	vmul.f32 $3.200000000e+01, v41;
	v15 =	vld [tilespmem:s16+$0x9820];
	v22 =	vadd.f32 v22, v19;
	[tilespmem:s16+$0x870] =	vst v18  }
0x94: {  	v41 =	vmul.f32 $3.200000000e+01, v43;
	v43 =	vmul.f32 $3.200000000e+01, v45;
	v19 =	vld [tilespmem:s16+$0x9840];
	[tilespmem:s16+$0x860] =	vst v3;
	v3 =	vadd.f32 v20, v17  }
0x95: {  	v45 =	vmul.f32 $3.200000000e+01, v47;
	v47 =	vmul.f32 $3.200000000e+01, v49;
	v26 =	vadd.f32 v26, v23;
	v23 =	vld [tilespmem:s16+$0x9860];
	[tilespmem:s16+$0xC10] =	vst v22  }
0x96: {  	v49 =	vmul.f32 $3.200000000e+01, v51;
	v30 =	vadd.f32 v30, v27;
	v27 =	vld [tilespmem:s16+$0x9C00];
	[tilespmem:s16+$0xC00] =	vst v3;
	v3 =	vadd.f32 v24, v21  }
0x97: {  	v51 =	vmul.f32 $3.200000000e+01, v53;
	v53 =	vmul.f32 $3.200000000e+01, v55;
	v34 =	vadd.f32 v34, v31;
	v31 =	vld [tilespmem:s16+$0x9C20];
	[tilespmem:s16+$0xC30] =	vst v26  }
0x98: {  	v55 =	vmul.f32 $3.200000000e+01, v57;
	v46 =	vadd.f32 v46, v43;
	v43 =	vld [tilespmem:s16+$0x1C60];
	[tilespmem:s16+$0xC20] =	vst v3;
	v3 =	vadd.f32 v28, v25  }
0x99: {  	v54 =	vadd.f32 v54, v51;
	v51 =	vld [tilespmem:s16+$0x9C70];
	[tilespmem:s16+$0xC50] =	vst v30  }
0x9a: {  	v57 =	vmul.f32 $3.200000000e+01, v59;
	v59 =	vadd.f32 v58, v55;
	v58 =	vld [tilespmem:s16+$0x2010];
	[tilespmem:s16+$0xC40] =	vst v3;
	v3 =	vadd.f32 v32, v29  }
0x9b: {  	v38 =	vadd.f32 v38, v35;
	v35 =	vld [tilespmem:s16+$0x2050];
	[tilespmem:s16+$0xC70] =	vst v34  }
0x9c: {  	v16 =	vld [tilespmem:s16+$0x1830];
	[tilespmem:s16+$0xC60] =	vst v3;
	v3 =	vadd.f32 v36, v33  }
0x9d: {  	v42 =	vadd.f32 v42, v39;
	v18 =	vld [tilespmem:s16+$0x1840];
	[tilespmem:s16+$0x1010] =	vst v38  }
0x9e: {  	v22 =	vld [tilespmem:s16+$0x1860];
	[tilespmem:s16+$0x1000] =	vst v3;
	v3 =	vadd.f32 v40, v37  }
0x9f: {  	v26 =	vld [tilespmem:s16+$0x1C00];
	[tilespmem:s16+$0x1030] =	vst v42  }
0xa0: {  	v30 =	vld [tilespmem:s16+$0x1C20];
	[tilespmem:s16+$0x1020] =	vst v3;
	v3 =	vadd.f32 v44, v41  }
0xa1: {  	v50 =	vadd.f32 v50, v47;
	[tilespmem:s16+$0x1050] =	vst v46;
	v17 =	vld [tilespmem:s16+$0x9830]  }
0xa2: {  	v20 =	vld [tilespmem:s16+$0x1850];
	[tilespmem:s16+$0x1040] =	vst v3;
	v3 =	vadd.f32 v48, v45  }
0xa3: {  	[tilespmem:s16+$0x1070] =	vst v50;
	v34 =	vld [tilespmem:s16+$0x1C40]  }
0xa4: {  	v21 =	vld [tilespmem:s16+$0x9850];
	[tilespmem:s16+$0x1060] =	vst v3;
	v3 =	vadd.f32 v52, v49  }
0xa5: {  	[tilespmem:s16+$0x1410] =	vst v54;
	v38 =	vld [tilespmem:s16+$0x1C50];
	v50 =	vmul.f32 $3.200000000e+01, v16  }
0xa6: {  	v46 =	vld [tilespmem:s16+$0x9C60];
	[tilespmem:s16+$0x1400] =	vst v3;
	v3 =	vadd.f32 v56, v53  }
0xa7: {  	[tilespmem:s16+$0x1430] =	vst v59;
	v24 =	vld [tilespmem:s16+$0x1870];
	v54 =	vadd.f32 v17, v50;
	v55 =	vmul.f32 $3.200000000e+01, v20  }
0xa8: {  	v25 =	vld [tilespmem:s16+$0x9870];
	v37 =	vmul.f32 $3.200000000e+01, v63;
	[tilespmem:s16+$0x1420] =	vst v3;
	v3 =	vadd.f32 v60, v57  }
0xa9: {  	v28 =	vld [tilespmem:s16+$0x1C10];
	[tilespmem:s16+$0x1830] =	vst v54;
	v59 =	vadd.f32 v21, v55;
	v36 =	vmul.f32 $3.200000000e+01, v61  }
0xaa: {  	v42 =	vmul.f32 $3.200000000e+01, v10;
	v29 =	vld [tilespmem:s16+$0x9C10];
	[tilespmem:s16+$0x1440] =	vst v3;
	v3 =	vadd.f32 v7, v37  }
0xab: {  	[tilespmem:s16+$0x1850] =	vst v59;
	v39 =	vadd.f32 v62, v36;
	v40 =	vmul.f32 $3.200000000e+01, v9;
	v63 =	vld [tilespmem:s16+$0x2020]  }
0xac: {  	v47 =	vmul.f32 $3.200000000e+01, v14;
	v48 =	vld [tilespmem:s16+$0x1C70];
	[tilespmem:s16+$0x1460] =	vst v3;
	v3 =	vadd.f32 v11, v42  }
0xad: {  	[tilespmem:s16+$0x1450] =	vst v39;
	v44 =	vadd.f32 v8, v40;
	v45 =	vmul.f32 $3.200000000e+01, v12;
	v60 =	vmul.f32 $3.200000000e+01, v24;
	v24 =	vld [tilespmem:s16+$0xA020]  }
0xae: {  	v52 =	vmul.f32 $3.200000000e+01, v18;
	v42 =	vld [tilespmem:s16+$0x2070];
	[tilespmem:s16+$0x1800] =	vst v3;
	v3 =	vadd.f32 v15, v47  }
0xaf: {  	v32 =	vld [tilespmem:s16+$0x1C30];
	[tilespmem:s16+$0x1470] =	vst v44;
	v49 =	vadd.f32 v13, v45  }
0xb0: {  	v57 =	vmul.f32 $3.200000000e+01, v22;
	v47 =	vld [tilespmem:s16+$0xA070];
	[tilespmem:s16+$0x1820] =	vst v3;
	v3 =	vadd.f32 v19, v52  }
0xb1: {  	v33 =	vld [tilespmem:s16+$0x9C30];
	v44 =	vmul.f32 $3.200000000e+01, v63;
	[tilespmem:s16+$0x1810] =	vst v49;
	v22 =	vadd.f32 v25, v60  }
0xb2: {  	v61 =	vld [tilespmem:s16+$0xA010];
	v62 =	vmul.f32 $3.200000000e+01, v26;
	[tilespmem:s16+$0x1840] =	vst v3;
	v3 =	vadd.f32 v23, v57  }
0xb3: {  	v41 =	vld [tilespmem:s16+$0x9C50];
	v36 =	vmul.f32 $3.200000000e+01, v48;
	[tilespmem:s16+$0x1870] =	vst v22;
	v48 =	vadd.f32 v24, v44;
	v52 =	vmul.f32 $3.200000000e+01, v42  }
0xb4: {  	v53 =	vld [tilespmem:s16+$0x2000];
	v25 =	vmul.f32 $3.200000000e+01, v30;
	[tilespmem:s16+$0x1860] =	vst v3;
	v3 =	vadd.f32 v27, v62  }
0xb5: {  	v26 =	vld [tilespmem:s16+$0x2030];
	[tilespmem:s16+$0x2020] =	vst v48;
	v23 =	vmul.f32 $3.200000000e+01, v28;
	v54 =	vadd.f32 v47, v52  }
0xb6: {  	v56 =	vld [tilespmem:s16+$0xA000];
	v30 =	vmul.f32 $3.200000000e+01, v38;
	[tilespmem:s16+$0x1C00] =	vst v3;
	v3 =	vadd.f32 v31, v25  }
0xb7: {  	v40 =	vld [tilespmem:s16+$0x2060];
	v28 =	vmul.f32 $3.200000000e+01, v32;
	v27 =	vadd.f32 v29, v23;
	[tilespmem:s16+$0x2070] =	vst v54  }
0xb8: {  	v45 =	vld [tilespmem:s16+$0xA060];
	[tilespmem:s16+$0x1C20] =	vst v3;
	v3 =	vadd.f32 v41, v30  }
0xb9: {  	v39 =	vmul.f32 $3.200000000e+01, v53;
	v29 =	vld [tilespmem:s16+$0xA030];
	v32 =	vadd.f32 v33, v28;
	[tilespmem:s16+$0x1C10] =	vst v27  }
0xba: {  	v37 =	vld [tilespmem:s16+$0xA050];
	v33 =	vmul.f32 $3.200000000e+01, v43;
	v41 =	vmul.f32 $3.200000000e+01, v58;
	[tilespmem:s16+$0x1C50] =	vst v3;
	v3 =	vadd.f32 v51, v36  }
0xbb: {  	v43 =	vadd.f32 v56, v39;
	v31 =	vld [tilespmem:s16+$0x2040];
	[tilespmem:s16+$0x1C30] =	vst v32  }
0xbc: {  	v49 =	vld [tilespmem:s16+$0x9C40];
	v38 =	vadd.f32 v46, v33;
	v46 =	vmul.f32 $3.200000000e+01, v26;
	[tilespmem:s16+$0x1C70] =	vst v3;
	v3 =	vadd.f32 v61, v41  }
0xbd: {  	v50 =	vld [tilespmem:s16+$0xA040];
	v7 =	vmul.f32 $3.200000000e+01, v35;
	[tilespmem:s16+$0x2000] =	vst v43  }
0xbe: {  	v8 =	vmul.f32 $3.200000000e+01, v40;
	[tilespmem:s16+$0x2010] =	vst v3;
	v3 =	vadd.f32 v29, v46  }
0xbf: {  	s18 =	sand.u32 $0x7, s0;
	v53 =	vmul.f32 $3.200000000e+01, v34;
	[tilespmem:s16+$0x1C60] =	vst v38;
	v51 =	vadd.f32 v37, v7  }
0xc0: {  	s17 =	sshll.u32 s18, $0x7;
	v55 =	vmul.f32 $3.200000000e+01, v31;
	[tilespmem:s16+$0x2030] =	vst v3;
	v3 =	vadd.f32 v45, v8  }
0xc1: {  	s17 =	sadd.s32 s17, s4;
	v6 =	vadd.f32 v49, v53;
	[tilespmem:s16+$0x2050] =	vst v51  }
0xc2: {  	s18 =	sor.u32 $0x1C00, s17;
	[tilespmem:s16+$0x2060] =	vst v3;
	v3 =	vadd.f32 v50, v55  }
0xc3: {  	[tilespmem:s16+$0x1C40] =	vst v6;
	v56 =	vld [tilespmem:s18+$0x800]  }
0xc4: {  	[tilespmem:s16+$0x2040] =	vst v3  }
0xc5: {  	v3 =	vld [tilespmem:s18+$0x8800];
	_ =	sdelay $0x2  }
0xc6: {  	v4 =	vmul.f32 $3.200000000e+01, v56;
	_ =	sdelay $0x1  }
0xc7: {  	v3 =	vadd.f32 v3, v4;
	_ =	sdelay $0x1  }
0xc8: {  	[tilespmem:s18+$0x800] =	vst v3;
	s18 =	sor.u32 $0x1C10, s17  }
0xc9: {  	v3 =	vld [tilespmem:s18+$0x800];
	_ =	sdelay $0x1  }
0xca: {  	v57 =	vld [tilespmem:s18+$0x8800];
	_ =	sdelay $0x2  }
0xcb: {  	v3 =	vmul.f32 $3.200000000e+01, v3;
	_ =	sdelay $0x1  }
0xcc: {  	v3 =	vadd.f32 v57, v3;
	_ =	sdelay $0x1  }
0xcd: {  	[tilespmem:s18+$0x800] =	vst v3;
	s18 =	sor.u32 $0x1C20, s17  }
0xce: {  	v3 =	vld [tilespmem:s18+$0x800];
	_ =	sdelay $0x1  }
0xcf: {  	v58 =	vld [tilespmem:s18+$0x8800];
	_ =	sdelay $0x2  }
0xd0: {  	v3 =	vmul.f32 $3.200000000e+01, v3;
	_ =	sdelay $0x1  }
0xd1: {  	v3 =	vadd.f32 v58, v3;
	_ =	sdelay $0x1  }
0xd2: {  	[tilespmem:s18+$0x800] =	vst v3;
	s18 =	sor.u32 $0x1C30, s17  }
0xd3: {  	v3 =	vld [tilespmem:s18+$0x800];
	_ =	sdelay $0x1  }
0xd4: {  	v59 =	vld [tilespmem:s18+$0x8800];
	_ =	sdelay $0x2  }
0xd5: {  	v3 =	vmul.f32 $3.200000000e+01, v3;
	_ =	sdelay $0x1  }
0xd6: {  	v3 =	vadd.f32 v59, v3;
	_ =	sdelay $0x1  }
0xd7: {  	[tilespmem:s18+$0x800] =	vst v3;
	s18 =	sor.u32 $0x1C40, s17  }
0xd8: {  	v3 =	vld [tilespmem:s18+$0x800];
	_ =	sdelay $0x1  }
0xd9: {  	v60 =	vld [tilespmem:s18+$0x8800];
	_ =	sdelay $0x2  }
0xda: {  	v3 =	vmul.f32 $3.200000000e+01, v3;
	_ =	sdelay $0x1  }
0xdb: {  	v3 =	vadd.f32 v60, v3;
	_ =	sdelay $0x1  }
0xdc: {  	[tilespmem:s18+$0x800] =	vst v3;
	s18 =	sor.u32 $0x1C50, s17  }
0xdd: {  	v3 =	vld [tilespmem:s18+$0x800];
	_ =	sdelay $0x1  }
0xde: {  	v61 =	vld [tilespmem:s18+$0x8800];
	_ =	sdelay $0x2  }
0xdf: {  	v3 =	vmul.f32 $3.200000000e+01, v3;
	_ =	sdelay $0x1  }
0xe0: {  	v3 =	vadd.f32 v61, v3;
	_ =	sdelay $0x1  }
0xe1: {  	[tilespmem:s18+$0x800] =	vst v3;
	s18 =	sor.u32 $0x1C60, s17  }
0xe2: {  	v3 =	vld [tilespmem:s18+$0x800];
	_ =	sdelay $0x1  }
0xe3: {  	v62 =	vld [tilespmem:s18+$0x8800];
	_ =	sdelay $0x2  }
0xe4: {  	v3 =	vmul.f32 $3.200000000e+01, v3;
	_ =	sdelay $0x1  }
0xe5: {  	v3 =	vadd.f32 v62, v3;
	_ =	sdelay $0x1  }
0xe6: {  	[tilespmem:s18+$0x800] =	vst v3;
	s18 =	sor.u32 $0x1C70, s17  }
0xe7: {  	v3 =	vld [tilespmem:s18+$0x800];
	_ =	sdelay $0x1  }
0xe8: {  	v63 =	vld [tilespmem:s18+$0x8800];
	_ =	sdelay $0x1  }
0xe9: {  	p0 =	sne.s32 s14, $0xF80  }
.Ltmp0:
0xea: {  	v3 =	vmul.f32 $3.200000000e+01, v3;
	(pc) =	sbr.rel @p0 .LBB2_3-.Ltmp0, $4  }
0xeb: {  	_ = 	snop  }
0xec: {  	v3 =	vadd.f32 v63, v3  }
0xed: {  	s0 =	sadd.s32 $0x1, s0  }
0xee: {  	s3 =	sadd.s32 $0x400, s3;
	s14 =	sadd.s32 $0x80, s14;
	s4 =	sadd.s32 $0x400, s4;
	[tilespmem:s18+$0x800] =	vst v3  }
0xef: {  	s0 =	sadd.s32 s6, s12;
	s8 =	sadd.s32 $0x1, s8  }
0xf0: {  	s3 =	rddreg [dreg:$0x2];
	s0 =	sshll.u32 s0, $0x7;
	p0 =	sne.s32 s8, $0x10  }
.Ltmp1:
0xf1: {  	s18 =	simm.s32 $0x0;
	s0 =	sadd.s32 s3, s0;
	(pc) =	sbr.rel @p0 .LBB2_2-.Ltmp1, $4  }
0xf2: {  	[hbm4b:s0+s18] =	stream.linear.scatter [tilespmem:s15], [sflag:$0x2], $0x8000, $0x38;
	[tilespmem:$0x10800] =	vst v63  }
0xf3: {  	_ =	swait.ge [sflag:s13], $0x8000  }
0xf4: {  	[sflag:s13] =	ssyncset.done $0x0  }
0xf5: {  	[sflag:s13] =	ssyncadd.s32 $0xFFFF8000  }
0xf6: {  	s3 =	rddreg [dreg:$0x6]  }
0xf7: {  	s0 =	rddreg [dreg:$0x5];
	s3 =	sadd.s32 $0x1, s3  }
0xf8: {  	p0 =	sne.s32 s3, s0  }
.Ltmp2:
0xf9: {  	_ = 	snop;
	(pc) =	sbr.rel @p0 .LBB2_1-.Ltmp2, $1  }
0xfa: {  	_ =	sdelay $0x3  }
0xfb: {  	_ =	sfence.sel $0x180000  }
0xfc: {  	[bflag:$0x0] =	sbarrier.arrive $0xFFFF  }
0xfd: {  	_ =	strace $0x90000047  }
0xfe: {  	s0 =	stileid.u32;
	[bflag:$0x2] =	sbarrier.arrive $0xFFFF  }
0xff: {  	p0 =	sne.s32 s0, $0x0;
	s0 =	rddreg [dreg:$0x3]  }
0x100: {  	s0 =	sadd.s32 @!p0 $0x100000, s0  }
0x101: {  	[sflag:s0] =	ssyncadd.tile.s32 @!p0 $0x1;
	_ =	shalt  }
.Lfunc_end2:
_tile_overlayer_lowered:
.L_overlay_start_2:
0x102: {  	(tag) =	ssettag $0x2  }
0x103: {  	s0 =	rddreg [dreg:$0x0];
	s2 =	stileid.u32  }
0x104: {  	s1 =	rddreg [dreg:$0x1];
	p0 =	sne.s32 s2, $0x0  }
0x105: {  	s3 =	rddreg [dreg:$0x2];
	[bflag:$0x3] =	sbarrier.arrive $0xFFFF;
	s2 =	simm.s32 @!p0 $0x1C02  }
0x106: {  	[timem:s3], [sflag:s2] =	dma.local @!p0 [hbm:s0], s1  }
0x107: {  	s0 =	simm.s32 @!p0 $0x2  }
0x108: {  	_ =	swait.ge @!p0 [sflag:s0], s1  }
0x109: {  	s1 =	ssub.s32 @!p0 $0x0, s1;
	[sflag:s0] =	ssyncset.done @!p0 $0x0  }
0x10a: {  	[sflag:s0] =	ssyncadd.s32 @!p0 s1  }
0x10b: {  	[bflag:$0x3] =	sbarrier.arrive $0xFFFF  }
0x10c: {  	_ =	shalt  }

</sc_bundles>
